<compile_context>
chip_gen: v7x
topology: tpu7x:2x2x1
jax: 0.10.2.dev20260603
libtpu: 0.0.44.dev20260713+nightly
codegen_flags: <defaults>
</compile_context>

<pallas_src>
import jax
import jax.numpy as jnp
from jax import lax
from jax.experimental import pallas as pl
from jax.experimental.pallas import tpu as pltpu
from jax.experimental.pallas import tpu_sc as plsc

VOCAB = 1000000
HIDDEN = 64
BATCH = 16384
SEQ = 50

NC = 2
NS = 16
NW = NC * NS
BPW = BATCH // NW
CHUNK = BPW * SEQ

TC_BLK = 16384


def _tc_project(w_a_ref, w_c_ref, b_c_ref, t_ref, p0_ref, p1_ref):
    w2 = jnp.dot(w_a_ref[...], w_c_ref[...], preferred_element_type=jnp.float32)
    w2t = w2.T * (1.0 / SEQ)
    t = t_ref[...]
    res = lax.dot_general(w2t, t, (((1,), (1,)), ((), ())),
                          preferred_element_type=jnp.float32)
    b2 = b_c_ref[...] * (1.0 / SEQ)
    p0_ref[...] = res[0:1, :] + b2[0]
    p1_ref[...] = res[1:2, :] + b2[1]


def _project_table(table, w_a, w_c, b_c):
    grid = pl.cdiv(VOCAB, TC_BLK)
    p0, p1 = pl.pallas_call(
        _tc_project,
        grid=(grid,),
        in_specs=[
            pl.BlockSpec((HIDDEN, 3), lambda i: (0, 0)),
            pl.BlockSpec((3, 2), lambda i: (0, 0)),
            pl.BlockSpec((2,), lambda i: (0,)),
            pl.BlockSpec((TC_BLK, HIDDEN), lambda i: (i, 0)),
        ],
        out_specs=[
            pl.BlockSpec((1, TC_BLK), lambda i: (0, i)),
            pl.BlockSpec((1, TC_BLK), lambda i: (0, i)),
        ],
        out_shape=[
            jax.ShapeDtypeStruct((1, VOCAB), jnp.float32),
            jax.ShapeDtypeStruct((1, VOCAB), jnp.float32),
        ],
        compiler_params=pltpu.CompilerParams(
            dimension_semantics=("arbitrary",),
        ),
    )(w_a, w_c, b_c, table)
    return p0.reshape(VOCAB), p1.reshape(VOCAB)


def _accumulate(g_ref, acc_ref):
    for t in range(BPW // 16):
        def body(l, a):
            return a + g_ref[pl.ds(l * BPW + t * 16, 16)]
        acc = lax.fori_loop(0, SEQ, body, jnp.zeros((16,), jnp.float32))
        acc_ref[pl.ds(t * 16, 16)] = acc


def _sc_body(p0_hbm, p1_hbm, ids_hbm, out0_hbm, out1_hbm,
             idx_v, g0_v, g1_v, acc_v, sem0, sem1):
    c = lax.axis_index("c")
    s = lax.axis_index("s")
    w = c * NS + s
    pltpu.sync_copy(ids_hbm.at[w], idx_v)
    cp0 = pltpu.async_copy(p0_hbm.at[idx_v], g0_v, sem0)
    cp1 = pltpu.async_copy(p1_hbm.at[idx_v], g1_v, sem1)
    cp0.wait()
    _accumulate(g0_v, acc_v)
    pltpu.sync_copy(acc_v, out0_hbm.at[pl.ds(w * BPW, BPW)])
    cp1.wait()
    _accumulate(g1_v, acc_v)
    pltpu.sync_copy(acc_v, out1_hbm.at[pl.ds(w * BPW, BPW)])


def _gather_sum(p0, p1, ids_r):
    mesh = plsc.VectorSubcoreMesh(core_axis_name="c", subcore_axis_name="s")
    fn = pl.kernel(
        _sc_body,
        out_type=[
            jax.ShapeDtypeStruct((BATCH,), jnp.float32),
            jax.ShapeDtypeStruct((BATCH,), jnp.float32),
        ],
        mesh=mesh,
        scratch_types=[
            pltpu.VMEM((CHUNK,), jnp.int32),
            pltpu.VMEM((CHUNK,), jnp.float32),
            pltpu.VMEM((CHUNK,), jnp.float32),
            pltpu.VMEM((BPW,), jnp.float32),
            pltpu.SemaphoreType.DMA,
            pltpu.SemaphoreType.DMA,
        ],
    )
    return fn(p0, p1, ids_r)


@jax.jit
def kernel(input_ids, table, W_a, W_c, b_c):
    p0, p1 = _project_table(table, W_a, W_c, b_c)
    ids_r = (input_ids.astype(jnp.int32)
             .reshape(NW, BPW, SEQ)
             .transpose(0, 2, 1)
             .reshape(NW, CHUNK))
    out0, out1 = _gather_sum(p0, p1, ids_r)
    return jnp.stack([out0, out1], axis=1)

# --- scband reference (transcript-rebuilt; emitter-appended) ---
"""Pipeline reference for scband-tiny-laplace-model-90872918049165 (READ-ONLY COPY).

The authoritative reference and input builder live on the scoring server;
editing this copy changes nothing except your own understanding.
"""

import jax, jax.numpy as jnp
import numpy as np

VOCAB = 1000000
HIDDEN = 64
BATCH = 16384
SEQ = 50

def setup_inputs(seed: int = 0) -> dict:
    key = jax.random.key(seed)
    k1, k2, k3, k4, k5 = jax.random.split(key, 5)
    input_ids = jax.random.randint(k1, (BATCH, SEQ), 0, VOCAB)
    table = jax.random.normal(k2, (VOCAB, HIDDEN), dtype=jnp.float32) * 0.02
    W_a = jax.random.normal(k3, (HIDDEN, 3), dtype=jnp.float32) * 0.1
    W_c = jax.random.normal(k4, (3, 2), dtype=jnp.float32) * 0.1
    b_c = jax.random.normal(k5, (2,), dtype=jnp.float32) * 0.01
    return {"input_ids": input_ids, "table": table, "W_a": W_a, "W_c": W_c, "b_c": b_c}

def reference(input_ids, table, W_a, W_c, b_c):
    # nn.Embedding lookup -> gather, then mean over sequence dim
    embedded = jnp.take(table, input_ids, axis=0)          # [B, L, H]
    embedded = embedded.mean(axis=1)                        # [B, H]
    hidden = embedded @ W_a                                 # lora_A: Linear(H, 3, bias=False)
    logits = hidden @ W_c + b_c                             # classifier: Linear(3, 2)
    return logits

if __name__ == "__main__":
    import jax
    _d = setup_inputs()
    print(jax.jit(kernel)(*tuple(_d.values())))

</pallas_src>

<mosaic_0001>
#map = affine_map<(d0, d1) -> (0)>
#map1 = affine_map<(d0, d1) -> (0, 0)>
module attributes {stable_mosaic.version = 14 : i64} {
  func.func @_sc_body(%arg0: i32, %arg1: i32, %arg2: memref<1000000xf32, #tpu.memory_space<hbm>>, %arg3: memref<1000000xf32, #tpu.memory_space<hbm>>, %arg4: memref<32x25600xi32, #tpu.memory_space<hbm>>, %arg5: memref<16384xf32, #tpu.memory_space<hbm>>, %arg6: memref<16384xf32, #tpu.memory_space<hbm>>, %arg7: memref<25600xi32, #tpu.memory_space<vmem>>, %arg8: memref<25600xf32, #tpu.memory_space<vmem>>, %arg9: memref<25600xf32, #tpu.memory_space<vmem>>, %arg10: memref<512xf32, #tpu.memory_space<vmem>>, %arg11: memref<!tpu.dma_semaphore, #tpu.memory_space<semaphore_mem>>, %arg12: memref<!tpu.dma_semaphore, #tpu.memory_space<semaphore_mem>>) attributes {dimension_semantics = [#tpu.dimension_semantics<core_parallel>, #tpu.dimension_semantics<subcore_parallel>], iteration_bounds = array<i64: 2, 16>, scalar_prefetch = 0 : i64, scratch_operands = 6 : i64, tpu.core_type = #tpu.core_type<sc_vector_subcore>, window_params = [{transform_indices = #map}, {transform_indices = #map}, {transform_indices = #map1}, {transform_indices = #map}, {transform_indices = #map}]} {
    %mul3A = arith.constant 16 : i32
    %mul3A_0 = arith.muli %arg0, %mul3A : i32
    %add3A = arith.addi %mul3A_0, %arg1 : i32
    "tpu.region"() ({
      %run_scoped3A = tpu.sem_alloc : memref<!tpu.dma_semaphore, #tpu.memory_space<semaphore_mem>>
      %dma_start3A_776 = arith.constant 0 : i32
      %dma_start3A_777 = tpu.memref_slice %arg4[%add3A, %dma_start3A_776] : memref<32x25600xi32, #tpu.memory_space<hbm>> -> memref<1x25600xi32, #tpu.memory_space<hbm>>
      %dma_start3A_778 = tpu.memref_squeeze %dma_start3A_777 : memref<1x25600xi32, #tpu.memory_space<hbm>> -> memref<25600xi32, #tpu.memory_space<hbm>>
      %dma_start3A_779 = arith.constant 0 : i32
      %dma_start3A_780 = tpu.memref_slice %arg4[%add3A, %dma_start3A_779] : memref<32x25600xi32, #tpu.memory_space<hbm>> -> memref<1x25600xi32, #tpu.memory_space<hbm>>
      %dma_start3A_781 = tpu.memref_squeeze %dma_start3A_780 : memref<1x25600xi32, #tpu.memory_space<hbm>> -> memref<25600xi32, #tpu.memory_space<hbm>>
      tpu.enqueue_dma source(%dma_start3A_781 : memref<25600xi32, #tpu.memory_space<hbm>>) target(%arg7 : memref<25600xi32, #tpu.memory_space<vmem>>) target_semaphore(%run_scoped3A : memref<!tpu.dma_semaphore, #tpu.memory_space<semaphore_mem>>)
      %dma_wait3A_782 = arith.constant 0 : i32
      %dma_wait3A_783 = tpu.memref_slice %arg4[%add3A, %dma_wait3A_782] : memref<32x25600xi32, #tpu.memory_space<hbm>> -> memref<1x25600xi32, #tpu.memory_space<hbm>>
      %dma_wait3A_784 = tpu.memref_squeeze %dma_wait3A_783 : memref<1x25600xi32, #tpu.memory_space<hbm>> -> memref<25600xi32, #tpu.memory_space<hbm>>
      %dma_wait3A_785 = arith.constant 0 : i32
      %dma_wait3A_786 = tpu.memref_slice %arg4[%add3A, %dma_wait3A_785] : memref<32x25600xi32, #tpu.memory_space<hbm>> -> memref<1x25600xi32, #tpu.memory_space<hbm>>
      %dma_wait3A_787 = tpu.memref_squeeze %dma_wait3A_786 : memref<1x25600xi32, #tpu.memory_space<hbm>> -> memref<25600xi32, #tpu.memory_space<hbm>>
      tpu.wait_dma2 semaphore(%run_scoped3A : memref<!tpu.dma_semaphore, #tpu.memory_space<semaphore_mem>>) src(%dma_wait3A_787 : memref<25600xi32, #tpu.memory_space<hbm>>) dst(%arg7 : memref<25600xi32, #tpu.memory_space<vmem>>)
      tpu.yield
    }) : () -> ()
    %dma_start3A = arith.constant 0 : i32
    %dma_start3A_1 = tpu.memref_slice %arg2[%dma_start3A] : memref<1000000xf32, #tpu.memory_space<hbm>> -> memref<1000000xf32, #tpu.memory_space<hbm>>
    tpu.enqueue_indirect_dma source(%dma_start3A_1 : memref<1000000xf32, #tpu.memory_space<hbm>>) target(%arg8 : memref<25600xf32, #tpu.memory_space<vmem>>) offsets(%arg7 : memref<25600xi32, #tpu.memory_space<vmem>>) semaphore(%arg11 : memref<!tpu.dma_semaphore, #tpu.memory_space<semaphore_mem>>)
    %dma_start3A_2 = arith.constant 0 : i32
    %dma_start3A_3 = tpu.memref_slice %arg3[%dma_start3A_2] : memref<1000000xf32, #tpu.memory_space<hbm>> -> memref<1000000xf32, #tpu.memory_space<hbm>>
    tpu.enqueue_indirect_dma source(%dma_start3A_3 : memref<1000000xf32, #tpu.memory_space<hbm>>) target(%arg9 : memref<25600xf32, #tpu.memory_space<vmem>>) offsets(%arg7 : memref<25600xi32, #tpu.memory_space<vmem>>) semaphore(%arg12 : memref<!tpu.dma_semaphore, #tpu.memory_space<semaphore_mem>>)
    %dma_wait3A = arith.constant 0 : i32
    %dma_wait3A_4 = tpu.memref_slice %arg2[%dma_wait3A] : memref<1000000xf32, #tpu.memory_space<hbm>> -> memref<1000000xf32, #tpu.memory_space<hbm>>
    tpu.wait_indirect_dma semaphore(%arg11 : memref<!tpu.dma_semaphore, #tpu.memory_space<semaphore_mem>>) src(%dma_wait3A_4 : memref<1000000xf32, #tpu.memory_space<hbm>>) dst(%arg8 : memref<25600xf32, #tpu.memory_space<vmem>>)
    %broadcast_in_dim3A = arith.constant 0.000000e+00 : f32
    %broadcast_in_dim3A_5 = vector.broadcast %broadcast_in_dim3A : f32 to vector<16xf32>
    %scan3A = arith.constant 0 : i32
    %scan3A_6 = arith.constant 50 : i32
    %scan3A_7 = arith.addi %scan3A, %scan3A_6 : i32
    %scan3A_8 = arith.constant 1 : i32
    %scan3A_9 = scf.for %scan3A_776 = %scan3A to %scan3A_7 step %scan3A_8 iter_args(%scan3A_777 = %broadcast_in_dim3A_5) -> (vector<16xf32>)  : i32 {
      %mul3A_778 = arith.constant 512 : i32
      %mul3A_779 = arith.muli %scan3A_776, %mul3A_778 : i32
      %add3A_780 = arith.constant 0 : i32
      %add3A_781 = arith.addi %mul3A_779, %add3A_780 : i32
      %get3A = arith.index_cast %add3A_781 : i32 to index
      %get3A_782 = tpu.vector_load %arg8[%get3A] {strides = array<i32>} : memref<25600xf32, #tpu.memory_space<vmem>>, vector<16xf32>,
      %get3A_783 = vector.shape_cast %get3A_782 : vector<16xf32> to vector<16xf32>
      %add3A_784 = arith.addf %scan3A_777, %get3A_783 : vector<16xf32>
      scf.yield %add3A_784 : vector<16xf32>
    }
    %scan3A_10 = arith.constant 50 : i32
    %swap3A = arith.constant 0 : index
    %swap3A_11 = tpu.vector_load %arg10[%swap3A] {strides = array<i32>} : memref<512xf32, #tpu.memory_space<vmem>>, vector<16xf32>,
    %swap3A_12 = vector.shape_cast %swap3A_11 : vector<16xf32> to vector<16xf32>
    %swap3A_13 = vector.shape_cast %scan3A_9 : vector<16xf32> to vector<16xf32>
    tpu.vector_store %arg10[%swap3A], %swap3A_13 {strides = array<i32>} : memref<512xf32, #tpu.memory_space<vmem>>, vector<16xf32>,
    %broadcast_in_dim3A_14 = arith.constant 0.000000e+00 : f32
    %broadcast_in_dim3A_15 = vector.broadcast %broadcast_in_dim3A_14 : f32 to vector<16xf32>
    %scan3A_16 = arith.constant 0 : i32
    %scan3A_17 = arith.constant 50 : i32
    %scan3A_18 = arith.addi %scan3A_16, %scan3A_17 : i32
    %scan3A_19 = arith.constant 1 : i32
    %scan3A_20 = scf.for %scan3A_776 = %scan3A_16 to %scan3A_18 step %scan3A_19 iter_args(%scan3A_777 = %broadcast_in_dim3A_15) -> (vector<16xf32>)  : i32 {
      %mul3A_778 = arith.constant 512 : i32
      %mul3A_779 = arith.muli %scan3A_776, %mul3A_778 : i32
      %add3A_780 = arith.constant 16 : i32
      %add3A_781 = arith.addi %mul3A_779, %add3A_780 : i32
      %get3A = arith.index_cast %add3A_781 : i32 to index
      %get3A_782 = tpu.vector_load %arg8[%get3A] {strides = array<i32>} : memref<25600xf32, #tpu.memory_space<vmem>>, vector<16xf32>,
      %get3A_783 = vector.shape_cast %get3A_782 : vector<16xf32> to vector<16xf32>
      %add3A_784 = arith.addf %scan3A_777, %get3A_783 : vector<16xf32>
      scf.yield %add3A_784 : vector<16xf32>
    }
    %scan3A_21 = arith.constant 50 : i32
    %swap3A_22 = arith.constant 16 : index
    %swap3A_23 = tpu.vector_load %arg10[%swap3A_22] {strides = array<i32>} : memref<512xf32, #tpu.memory_space<vmem>>, vector<16xf32>,
    %swap3A_24 = vector.shape_cast %swap3A_23 : vector<16xf32> to vector<16xf32>
    %swap3A_25 = vector.shape_cast %scan3A_20 : vector<16xf32> to vector<16xf32>
    tpu.vector_store %arg10[%swap3A_22], %swap3A_25 {strides = array<i32>} : memref<512xf32, #tpu.memory_space<vmem>>, vector<16xf32>,
    %broadcast_in_dim3A_26 = arith.constant 0.000000e+00 : f32
    %broadcast_in_dim3A_27 = vector.broadcast %broadcast_in_dim3A_26 : f32 to vector<16xf32>
    %scan3A_28 = arith.constant 0 : i32
    %scan3A_29 = arith.constant 50 : i32
    %scan3A_30 = arith.addi %scan3A_28, %scan3A_29 : i32
    %scan3A_31 = arith.constant 1 : i32
    %scan3A_32 = scf.for %scan3A_776 = %scan3A_28 to %scan3A_30 step %scan3A_31 iter_args(%scan3A_777 = %broadcast_in_dim3A_27) -> (vector<16xf32>)  : i32 {
      %mul3A_778 = arith.constant 512 : i32
      %mul3A_779 = arith.muli %scan3A_776, %mul3A_778 : i32
      %add3A_780 = arith.constant 32 : i32
      %add3A_781 = arith.addi %mul3A_779, %add3A_780 : i32
      %get3A = arith.index_cast %add3A_781 : i32 to index
      %get3A_782 = tpu.vector_load %arg8[%get3A] {strides = array<i32>} : memref<25600xf32, #tpu.memory_space<vmem>>, vector<16xf32>,
      %get3A_783 = vector.shape_cast %get3A_782 : vector<16xf32> to vector<16xf32>
      %add3A_784 = arith.addf %scan3A_777, %get3A_783 : vector<16xf32>
      scf.yield %add3A_784 : vector<16xf32>
    }
    %scan3A_33 = arith.constant 50 : i32
    %swap3A_34 = arith.constant 32 : index
    %swap3A_35 = tpu.vector_load %arg10[%swap3A_34] {strides = array<i32>} : memref<512xf32, #tpu.memory_space<vmem>>, vector<16xf32>,
    %swap3A_36 = vector.shape_cast %swap3A_35 : vector<16xf32> to vector<16xf32>
    %swap3A_37 = vector.shape_cast %scan3A_32 : vector<16xf32> to vector<16xf32>
    tpu.vector_store %arg10[%swap3A_34], %swap3A_37 {strides = array<i32>} : memref<512xf32, #tpu.memory_space<vmem>>, vector<16xf32>,
    %broadcast_in_dim3A_38 = arith.constant 0.000000e+00 : f32
    %broadcast_in_dim3A_39 = vector.broadcast %broadcast_in_dim3A_38 : f32 to vector<16xf32>
    %scan3A_40 = arith.constant 0 : i32
    %scan3A_41 = arith.constant 50 : i32
    %scan3A_42 = arith.addi %scan3A_40, %scan3A_41 : i32
    %scan3A_43 = arith.constant 1 : i32
    %scan3A_44 = scf.for %scan3A_776 = %scan3A_40 to %scan3A_42 step %scan3A_43 iter_args(%scan3A_777 = %broadcast_in_dim3A_39) -> (vector<16xf32>)  : i32 {
      %mul3A_778 = arith.constant 512 : i32
      %mul3A_779 = arith.muli %scan3A_776, %mul3A_778 : i32
      %add3A_780 = arith.constant 48 : i32
      %add3A_781 = arith.addi %mul3A_779, %add3A_780 : i32
      %get3A = arith.index_cast %add3A_781 : i32 to index
      %get3A_782 = tpu.vector_load %arg8[%get3A] {strides = array<i32>} : memref<25600xf32, #tpu.memory_space<vmem>>, vector<16xf32>,
      %get3A_783 = vector.shape_cast %get3A_782 : vector<16xf32> to vector<16xf32>
      %add3A_784 = arith.addf %scan3A_777, %get3A_783 : vector<16xf32>
      scf.yield %add3A_784 : vector<16xf32>
    }
    %scan3A_45 = arith.constant 50 : i32
    %swap3A_46 = arith.constant 48 : index
    %swap3A_47 = tpu.vector_load %arg10[%swap3A_46] {strides = array<i32>} : memref<512xf32, #tpu.memory_space<vmem>>, vector<16xf32>,
    %swap3A_48 = vector.shape_cast %swap3A_47 : vector<16xf32> to vector<16xf32>
    %swap3A_49 = vector.shape_cast %scan3A_44 : vector<16xf32> to vector<16xf32>
    tpu.vector_store %arg10[%swap3A_46], %swap3A_49 {strides = array<i32>} : memref<512xf32, #tpu.memory_space<vmem>>, vector<16xf32>,
    %broadcast_in_dim3A_50 = arith.constant 0.000000e+00 : f32
    %broadcast_in_dim3A_51 = vector.broadcast %broadcast_in_dim3A_50 : f32 to vector<16xf32>
    %scan3A_52 = arith.constant 0 : i32
    %scan3A_53 = arith.constant 50 : i32
    %scan3A_54 = arith.addi %scan3A_52, %scan3A_53 : i32
    %scan3A_55 = arith.constant 1 : i32
    %scan3A_56 = scf.for %scan3A_776 = %scan3A_52 to %scan3A_54 step %scan3A_55 iter_args(%scan3A_777 = %broadcast_in_dim3A_51) -> (vector<16xf32>)  : i32 {
      %mul3A_778 = arith.constant 512 : i32
      %mul3A_779 = arith.muli %scan3A_776, %mul3A_778 : i32
      %add3A_780 = arith.constant 64 : i32
      %add3A_781 = arith.addi %mul3A_779, %add3A_780 : i32
      %get3A = arith.index_cast %add3A_781 : i32 to index
      %get3A_782 = tpu.vector_load %arg8[%get3A] {strides = array<i32>} : memref<25600xf32, #tpu.memory_space<vmem>>, vector<16xf32>,
      %get3A_783 = vector.shape_cast %get3A_782 : vector<16xf32> to vector<16xf32>
      %add3A_784 = arith.addf %scan3A_777, %get3A_783 : vector<16xf32>
      scf.yield %add3A_784 : vector<16xf32>
    }
    %scan3A_57 = arith.constant 50 : i32
    %swap3A_58 = arith.constant 64 : index
    %swap3A_59 = tpu.vector_load %arg10[%swap3A_58] {strides = array<i32>} : memref<512xf32, #tpu.memory_space<vmem>>, vector<16xf32>,
    %swap3A_60 = vector.shape_cast %swap3A_59 : vector<16xf32> to vector<16xf32>
    %swap3A_61 = vector.shape_cast %scan3A_56 : vector<16xf32> to vector<16xf32>
    tpu.vector_store %arg10[%swap3A_58], %swap3A_61 {strides = array<i32>} : memref<512xf32, #tpu.memory_space<vmem>>, vector<16xf32>,
    %broadcast_in_dim3A_62 = arith.constant 0.000000e+00 : f32
    %broadcast_in_dim3A_63 = vector.broadcast %broadcast_in_dim3A_62 : f32 to vector<16xf32>
    %scan3A_64 = arith.constant 0 : i32
    %scan3A_65 = arith.constant 50 : i32
    %scan3A_66 = arith.addi %scan3A_64, %scan3A_65 : i32
    %scan3A_67 = arith.constant 1 : i32
    %scan3A_68 = scf.for %scan3A_776 = %scan3A_64 to %scan3A_66 step %scan3A_67 iter_args(%scan3A_777 = %broadcast_in_dim3A_63) -> (vector<16xf32>)  : i32 {
      %mul3A_778 = arith.constant 512 : i32
      %mul3A_779 = arith.muli %scan3A_776, %mul3A_778 : i32
      %add3A_780 = arith.constant 80 : i32
      %add3A_781 = arith.addi %mul3A_779, %add3A_780 : i32
      %get3A = arith.index_cast %add3A_781 : i32 to index
      %get3A_782 = tpu.vector_load %arg8[%get3A] {strides = array<i32>} : memref<25600xf32, #tpu.memory_space<vmem>>, vector<16xf32>,
      %get3A_783 = vector.shape_cast %get3A_782 : vector<16xf32> to vector<16xf32>
      %add3A_784 = arith.addf %scan3A_777, %get3A_783 : vector<16xf32>
      scf.yield %add3A_784 : vector<16xf32>
    }
    %scan3A_69 = arith.constant 50 : i32
    %swap3A_70 = arith.constant 80 : index
    %swap3A_71 = tpu.vector_load %arg10[%swap3A_70] {strides = array<i32>} : memref<512xf32, #tpu.memory_space<vmem>>, vector<16xf32>,
    %swap3A_72 = vector.shape_cast %swap3A_71 : vector<16xf32> to vector<16xf32>
    %swap3A_73 = vector.shape_cast %scan3A_68 : vector<16xf32> to vector<16xf32>
    tpu.vector_store %arg10[%swap3A_70], %swap3A_73 {strides = array<i32>} : memref<512xf32, #tpu.memory_space<vmem>>, vector<16xf32>,
    %broadcast_in_dim3A_74 = arith.constant 0.000000e+00 : f32
    %broadcast_in_dim3A_75 = vector.broadcast %broadcast_in_dim3A_74 : f32 to vector<16xf32>
    %scan3A_76 = arith.constant 0 : i32
    %scan3A_77 = arith.constant 50 : i32
    %scan3A_78 = arith.addi %scan3A_76, %scan3A_77 : i32
    %scan3A_79 = arith.constant 1 : i32
    %scan3A_80 = scf.for %scan3A_776 = %scan3A_76 to %scan3A_78 step %scan3A_79 iter_args(%scan3A_777 = %broadcast_in_dim3A_75) -> (vector<16xf32>)  : i32 {
      %mul3A_778 = arith.constant 512 : i32
      %mul3A_779 = arith.muli %scan3A_776, %mul3A_778 : i32
      %add3A_780 = arith.constant 96 : i32
      %add3A_781 = arith.addi %mul3A_779, %add3A_780 : i32
      %get3A = arith.index_cast %add3A_781 : i32 to index
      %get3A_782 = tpu.vector_load %arg8[%get3A] {strides = array<i32>} : memref<25600xf32, #tpu.memory_space<vmem>>, vector<16xf32>,
      %get3A_783 = vector.shape_cast %get3A_782 : vector<16xf32> to vector<16xf32>
      %add3A_784 = arith.addf %scan3A_777, %get3A_783 : vector<16xf32>
      scf.yield %add3A_784 : vector<16xf32>
    }
    %scan3A_81 = arith.constant 50 : i32
    %swap3A_82 = arith.constant 96 : index
    %swap3A_83 = tpu.vector_load %arg10[%swap3A_82] {strides = array<i32>} : memref<512xf32, #tpu.memory_space<vmem>>, vector<16xf32>,
    %swap3A_84 = vector.shape_cast %swap3A_83 : vector<16xf32> to vector<16xf32>
    %swap3A_85 = vector.shape_cast %scan3A_80 : vector<16xf32> to vector<16xf32>
    tpu.vector_store %arg10[%swap3A_82], %swap3A_85 {strides = array<i32>} : memref<512xf32, #tpu.memory_space<vmem>>, vector<16xf32>,
    %broadcast_in_dim3A_86 = arith.constant 0.000000e+00 : f32
    %broadcast_in_dim3A_87 = vector.broadcast %broadcast_in_dim3A_86 : f32 to vector<16xf32>
    %scan3A_88 = arith.constant 0 : i32
    %scan3A_89 = arith.constant 50 : i32
    %scan3A_90 = arith.addi %scan3A_88, %scan3A_89 : i32
    %scan3A_91 = arith.constant 1 : i32
    %scan3A_92 = scf.for %scan3A_776 = %scan3A_88 to %scan3A_90 step %scan3A_91 iter_args(%scan3A_777 = %broadcast_in_dim3A_87) -> (vector<16xf32>)  : i32 {
      %mul3A_778 = arith.constant 512 : i32
      %mul3A_779 = arith.muli %scan3A_776, %mul3A_778 : i32
      %add3A_780 = arith.constant 112 : i32
      %add3A_781 = arith.addi %mul3A_779, %add3A_780 : i32
      %get3A = arith.index_cast %add3A_781 : i32 to index
      %get3A_782 = tpu.vector_load %arg8[%get3A] {strides = array<i32>} : memref<25600xf32, #tpu.memory_space<vmem>>, vector<16xf32>,
      %get3A_783 = vector.shape_cast %get3A_782 : vector<16xf32> to vector<16xf32>
      %add3A_784 = arith.addf %scan3A_777, %get3A_783 : vector<16xf32>
      scf.yield %add3A_784 : vector<16xf32>
    }
    %scan3A_93 = arith.constant 50 : i32
    %swap3A_94 = arith.constant 112 : index
    %swap3A_95 = tpu.vector_load %arg10[%swap3A_94] {strides = array<i32>} : memref<512xf32, #tpu.memory_space<vmem>>, vector<16xf32>,
    %swap3A_96 = vector.shape_cast %swap3A_95 : vector<16xf32> to vector<16xf32>
    %swap3A_97 = vector.shape_cast %scan3A_92 : vector<16xf32> to vector<16xf32>
    tpu.vector_store %arg10[%swap3A_94], %swap3A_97 {strides = array<i32>} : memref<512xf32, #tpu.memory_space<vmem>>, vector<16xf32>,
    %broadcast_in_dim3A_98 = arith.constant 0.000000e+00 : f32
    %broadcast_in_dim3A_99 = vector.broadcast %broadcast_in_dim3A_98 : f32 to vector<16xf32>
    %scan3A_100 = arith.constant 0 : i32
    %scan3A_101 = arith.constant 50 : i32
    %scan3A_102 = arith.addi %scan3A_100, %scan3A_101 : i32
    %scan3A_103 = arith.constant 1 : i32
    %scan3A_104 = scf.for %scan3A_776 = %scan3A_100 to %scan3A_102 step %scan3A_103 iter_args(%scan3A_777 = %broadcast_in_dim3A_99) -> (vector<16xf32>)  : i32 {
      %mul3A_778 = arith.constant 512 : i32
      %mul3A_779 = arith.muli %scan3A_776, %mul3A_778 : i32
      %add3A_780 = arith.constant 128 : i32
      %add3A_781 = arith.addi %mul3A_779, %add3A_780 : i32
      %get3A = arith.index_cast %add3A_781 : i32 to index
      %get3A_782 = tpu.vector_load %arg8[%get3A] {strides = array<i32>} : memref<25600xf32, #tpu.memory_space<vmem>>, vector<16xf32>,
      %get3A_783 = vector.shape_cast %get3A_782 : vector<16xf32> to vector<16xf32>
      %add3A_784 = arith.addf %scan3A_777, %get3A_783 : vector<16xf32>
      scf.yield %add3A_784 : vector<16xf32>
    }
    %scan3A_105 = arith.constant 50 : i32
    %swap3A_106 = arith.constant 128 : index
    %swap3A_107 = tpu.vector_load %arg10[%swap3A_106] {strides = array<i32>} : memref<512xf32, #tpu.memory_space<vmem>>, vector<16xf32>,
    %swap3A_108 = vector.shape_cast %swap3A_107 : vector<16xf32> to vector<16xf32>
    %swap3A_109 = vector.shape_cast %scan3A_104 : vector<16xf32> to vector<16xf32>
    tpu.vector_store %arg10[%swap3A_106], %swap3A_109 {strides = array<i32>} : memref<512xf32, #tpu.memory_space<vmem>>, vector<16xf32>,
    %broadcast_in_dim3A_110 = arith.constant 0.000000e+00 : f32
    %broadcast_in_dim3A_111 = vector.broadcast %broadcast_in_dim3A_110 : f32 to vector<16xf32>
    %scan3A_112 = arith.constant 0 : i32
    %scan3A_113 = arith.constant 50 : i32
    %scan3A_114 = arith.addi %scan3A_112, %scan3A_113 : i32
    %scan3A_115 = arith.constant 1 : i32
    %scan3A_116 = scf.for %scan3A_776 = %scan3A_112 to %scan3A_114 step %scan3A_115 iter_args(%scan3A_777 = %broadcast_in_dim3A_111) -> (vector<16xf32>)  : i32 {
      %mul3A_778 = arith.constant 512 : i32
      %mul3A_779 = arith.muli %scan3A_776, %mul3A_778 : i32
      %add3A_780 = arith.constant 144 : i32
      %add3A_781 = arith.addi %mul3A_779, %add3A_780 : i32
      %get3A = arith.index_cast %add3A_781 : i32 to index
      %get3A_782 = tpu.vector_load %arg8[%get3A] {strides = array<i32>} : memref<25600xf32, #tpu.memory_space<vmem>>, vector<16xf32>,
      %get3A_783 = vector.shape_cast %get3A_782 : vector<16xf32> to vector<16xf32>
      %add3A_784 = arith.addf %scan3A_777, %get3A_783 : vector<16xf32>
      scf.yield %add3A_784 : vector<16xf32>
    }
    %scan3A_117 = arith.constant 50 : i32
    %swap3A_118 = arith.constant 144 : index
    %swap3A_119 = tpu.vector_load %arg10[%swap3A_118] {strides = array<i32>} : memref<512xf32, #tpu.memory_space<vmem>>, vector<16xf32>,
    %swap3A_120 = vector.shape_cast %swap3A_119 : vector<16xf32> to vector<16xf32>
    %swap3A_121 = vector.shape_cast %scan3A_116 : vector<16xf32> to vector<16xf32>
    tpu.vector_store %arg10[%swap3A_118], %swap3A_121 {strides = array<i32>} : memref<512xf32, #tpu.memory_space<vmem>>, vector<16xf32>,
    %broadcast_in_dim3A_122 = arith.constant 0.000000e+00 : f32
    %broadcast_in_dim3A_123 = vector.broadcast %broadcast_in_dim3A_122 : f32 to vector<16xf32>
    %scan3A_124 = arith.constant 0 : i32
    %scan3A_125 = arith.constant 50 : i32
    %scan3A_126 = arith.addi %scan3A_124, %scan3A_125 : i32
    %scan3A_127 = arith.constant 1 : i32
    %scan3A_128 = scf.for %scan3A_776 = %scan3A_124 to %scan3A_126 step %scan3A_127 iter_args(%scan3A_777 = %broadcast_in_dim3A_123) -> (vector<16xf32>)  : i32 {
      %mul3A_778 = arith.constant 512 : i32
      %mul3A_779 = arith.muli %scan3A_776, %mul3A_778 : i32
      %add3A_780 = arith.constant 160 : i32
      %add3A_781 = arith.addi %mul3A_779, %add3A_780 : i32
      %get3A = arith.index_cast %add3A_781 : i32 to index
      %get3A_782 = tpu.vector_load %arg8[%get3A] {strides = array<i32>} : memref<25600xf32, #tpu.memory_space<vmem>>, vector<16xf32>,
      %get3A_783 = vector.shape_cast %get3A_782 : vector<16xf32> to vector<16xf32>
      %add3A_784 = arith.addf %scan3A_777, %get3A_783 : vector<16xf32>
      scf.yield %add3A_784 : vector<16xf32>
    }
    %scan3A_129 = arith.constant 50 : i32
    %swap3A_130 = arith.constant 160 : index
    %swap3A_131 = tpu.vector_load %arg10[%swap3A_130] {strides = array<i32>} : memref<512xf32, #tpu.memory_space<vmem>>, vector<16xf32>,
    %swap3A_132 = vector.shape_cast %swap3A_131 : vector<16xf32> to vector<16xf32>
    %swap3A_133 = vector.shape_cast %scan3A_128 : vector<16xf32> to vector<16xf32>
    tpu.vector_store %arg10[%swap3A_130], %swap3A_133 {strides = array<i32>} : memref<512xf32, #tpu.memory_space<vmem>>, vector<16xf32>,
    %broadcast_in_dim3A_134 = arith.constant 0.000000e+00 : f32
    %broadcast_in_dim3A_135 = vector.broadcast %broadcast_in_dim3A_134 : f32 to vector<16xf32>
    %scan3A_136 = arith.constant 0 : i32
    %scan3A_137 = arith.constant 50 : i32
    %scan3A_138 = arith.addi %scan3A_136, %scan3A_137 : i32
    %scan3A_139 = arith.constant 1 : i32
    %scan3A_140 = scf.for %scan3A_776 = %scan3A_136 to %scan3A_138 step %scan3A_139 iter_args(%scan3A_777 = %broadcast_in_dim3A_135) -> (vector<16xf32>)  : i32 {
      %mul3A_778 = arith.constant 512 : i32
      %mul3A_779 = arith.muli %scan3A_776, %mul3A_778 : i32
      %add3A_780 = arith.constant 176 : i32
      %add3A_781 = arith.addi %mul3A_779, %add3A_780 : i32
      %get3A = arith.index_cast %add3A_781 : i32 to index
      %get3A_782 = tpu.vector_load %arg8[%get3A] {strides = array<i32>} : memref<25600xf32, #tpu.memory_space<vmem>>, vector<16xf32>,
      %get3A_783 = vector.shape_cast %get3A_782 : vector<16xf32> to vector<16xf32>
      %add3A_784 = arith.addf %scan3A_777, %get3A_783 : vector<16xf32>
      scf.yield %add3A_784 : vector<16xf32>
    }
    %scan3A_141 = arith.constant 50 : i32
    %swap3A_142 = arith.constant 176 : index
    %swap3A_143 = tpu.vector_load %arg10[%swap3A_142] {strides = array<i32>} : memref<512xf32, #tpu.memory_space<vmem>>, vector<16xf32>,
    %swap3A_144 = vector.shape_cast %swap3A_143 : vector<16xf32> to vector<16xf32>
    %swap3A_145 = vector.shape_cast %scan3A_140 : vector<16xf32> to vector<16xf32>
    tpu.vector_store %arg10[%swap3A_142], %swap3A_145 {strides = array<i32>} : memref<512xf32, #tpu.memory_space<vmem>>, vector<16xf32>,
    %broadcast_in_dim3A_146 = arith.constant 0.000000e+00 : f32
    %broadcast_in_dim3A_147 = vector.broadcast %broadcast_in_dim3A_146 : f32 to vector<16xf32>
    %scan3A_148 = arith.constant 0 : i32
    %scan3A_149 = arith.constant 50 : i32
    %scan3A_150 = arith.addi %scan3A_148, %scan3A_149 : i32
    %scan3A_151 = arith.constant 1 : i32
    %scan3A_152 = scf.for %scan3A_776 = %scan3A_148 to %scan3A_150 step %scan3A_151 iter_args(%scan3A_777 = %broadcast_in_dim3A_147) -> (vector<16xf32>)  : i32 {
      %mul3A_778 = arith.constant 512 : i32
      %mul3A_779 = arith.muli %scan3A_776, %mul3A_778 : i32
      %add3A_780 = arith.constant 192 : i32
      %add3A_781 = arith.addi %mul3A_779, %add3A_780 : i32
      %get3A = arith.index_cast %add3A_781 : i32 to index
      %get3A_782 = tpu.vector_load %arg8[%get3A] {strides = array<i32>} : memref<25600xf32, #tpu.memory_space<vmem>>, vector<16xf32>,
      %get3A_783 = vector.shape_cast %get3A_782 : vector<16xf32> to vector<16xf32>
      %add3A_784 = arith.addf %scan3A_777, %get3A_783 : vector<16xf32>
      scf.yield %add3A_784 : vector<16xf32>
    }
    %scan3A_153 = arith.constant 50 : i32
    %swap3A_154 = arith.constant 192 : index
    %swap3A_155 = tpu.vector_load %arg10[%swap3A_154] {strides = array<i32>} : memref<512xf32, #tpu.memory_space<vmem>>, vector<16xf32>,
    %swap3A_156 = vector.shape_cast %swap3A_155 : vector<16xf32> to vector<16xf32>
    %swap3A_157 = vector.shape_cast %scan3A_152 : vector<16xf32> to vector<16xf32>
    tpu.vector_store %arg10[%swap3A_154], %swap3A_157 {strides = array<i32>} : memref<512xf32, #tpu.memory_space<vmem>>, vector<16xf32>,
    %broadcast_in_dim3A_158 = arith.constant 0.000000e+00 : f32
    %broadcast_in_dim3A_159 = vector.broadcast %broadcast_in_dim3A_158 : f32 to vector<16xf32>
    %scan3A_160 = arith.constant 0 : i32
    %scan3A_161 = arith.constant 50 : i32
    %scan3A_162 = arith.addi %scan3A_160, %scan3A_161 : i32
    %scan3A_163 = arith.constant 1 : i32
    %scan3A_164 = scf.for %scan3A_776 = %scan3A_160 to %scan3A_162 step %scan3A_163 iter_args(%scan3A_777 = %broadcast_in_dim3A_159) -> (vector<16xf32>)  : i32 {
      %mul3A_778 = arith.constant 512 : i32
      %mul3A_779 = arith.muli %scan3A_776, %mul3A_778 : i32
      %add3A_780 = arith.constant 208 : i32
      %add3A_781 = arith.addi %mul3A_779, %add3A_780 : i32
      %get3A = arith.index_cast %add3A_781 : i32 to index
      %get3A_782 = tpu.vector_load %arg8[%get3A] {strides = array<i32>} : memref<25600xf32, #tpu.memory_space<vmem>>, vector<16xf32>,
      %get3A_783 = vector.shape_cast %get3A_782 : vector<16xf32> to vector<16xf32>
      %add3A_784 = arith.addf %scan3A_777, %get3A_783 : vector<16xf32>
      scf.yield %add3A_784 : vector<16xf32>
    }
    %scan3A_165 = arith.constant 50 : i32
    %swap3A_166 = arith.constant 208 : index
    %swap3A_167 = tpu.vector_load %arg10[%swap3A_166] {strides = array<i32>} : memref<512xf32, #tpu.memory_space<vmem>>, vector<16xf32>,
    %swap3A_168 = vector.shape_cast %swap3A_167 : vector<16xf32> to vector<16xf32>
    %swap3A_169 = vector.shape_cast %scan3A_164 : vector<16xf32> to vector<16xf32>
    tpu.vector_store %arg10[%swap3A_166], %swap3A_169 {strides = array<i32>} : memref<512xf32, #tpu.memory_space<vmem>>, vector<16xf32>,
    %broadcast_in_dim3A_170 = arith.constant 0.000000e+00 : f32
    %broadcast_in_dim3A_171 = vector.broadcast %broadcast_in_dim3A_170 : f32 to vector<16xf32>
    %scan3A_172 = arith.constant 0 : i32
    %scan3A_173 = arith.constant 50 : i32
    %scan3A_174 = arith.addi %scan3A_172, %scan3A_173 : i32
    %scan3A_175 = arith.constant 1 : i32
    %scan3A_176 = scf.for %scan3A_776 = %scan3A_172 to %scan3A_174 step %scan3A_175 iter_args(%scan3A_777 = %broadcast_in_dim3A_171) -> (vector<16xf32>)  : i32 {
      %mul3A_778 = arith.constant 512 : i32
      %mul3A_779 = arith.muli %scan3A_776, %mul3A_778 : i32
      %add3A_780 = arith.constant 224 : i32
      %add3A_781 = arith.addi %mul3A_779, %add3A_780 : i32
      %get3A = arith.index_cast %add3A_781 : i32 to index
      %get3A_782 = tpu.vector_load %arg8[%get3A] {strides = array<i32>} : memref<25600xf32, #tpu.memory_space<vmem>>, vector<16xf32>,
      %get3A_783 = vector.shape_cast %get3A_782 : vector<16xf32> to vector<16xf32>
      %add3A_784 = arith.addf %scan3A_777, %get3A_783 : vector<16xf32>
      scf.yield %add3A_784 : vector<16xf32>
    }
    %scan3A_177 = arith.constant 50 : i32
    %swap3A_178 = arith.constant 224 : index
    %swap3A_179 = tpu.vector_load %arg10[%swap3A_178] {strides = array<i32>} : memref<512xf32, #tpu.memory_space<vmem>>, vector<16xf32>,
    %swap3A_180 = vector.shape_cast %swap3A_179 : vector<16xf32> to vector<16xf32>
    %swap3A_181 = vector.shape_cast %scan3A_176 : vector<16xf32> to vector<16xf32>
    tpu.vector_store %arg10[%swap3A_178], %swap3A_181 {strides = array<i32>} : memref<512xf32, #tpu.memory_space<vmem>>, vector<16xf32>,
    %broadcast_in_dim3A_182 = arith.constant 0.000000e+00 : f32
    %broadcast_in_dim3A_183 = vector.broadcast %broadcast_in_dim3A_182 : f32 to vector<16xf32>
    %scan3A_184 = arith.constant 0 : i32
    %scan3A_185 = arith.constant 50 : i32
    %scan3A_186 = arith.addi %scan3A_184, %scan3A_185 : i32
    %scan3A_187 = arith.constant 1 : i32
    %scan3A_188 = scf.for %scan3A_776 = %scan3A_184 to %scan3A_186 step %scan3A_187 iter_args(%scan3A_777 = %broadcast_in_dim3A_183) -> (vector<16xf32>)  : i32 {
      %mul3A_778 = arith.constant 512 : i32
      %mul3A_779 = arith.muli %scan3A_776, %mul3A_778 : i32
      %add3A_780 = arith.constant 240 : i32
      %add3A_781 = arith.addi %mul3A_779, %add3A_780 : i32
      %get3A = arith.index_cast %add3A_781 : i32 to index
      %get3A_782 = tpu.vector_load %arg8[%get3A] {strides = array<i32>} : memref<25600xf32, #tpu.memory_space<vmem>>, vector<16xf32>,
      %get3A_783 = vector.shape_cast %get3A_782 : vector<16xf32> to vector<16xf32>
      %add3A_784 = arith.addf %scan3A_777, %get3A_783 : vector<16xf32>
      scf.yield %add3A_784 : vector<16xf32>
    }
    %scan3A_189 = arith.constant 50 : i32
    %swap3A_190 = arith.constant 240 : index
    %swap3A_191 = tpu.vector_load %arg10[%swap3A_190] {strides = array<i32>} : memref<512xf32, #tpu.memory_space<vmem>>, vector<16xf32>,
    %swap3A_192 = vector.shape_cast %swap3A_191 : vector<16xf32> to vector<16xf32>
    %swap3A_193 = vector.shape_cast %scan3A_188 : vector<16xf32> to vector<16xf32>
    tpu.vector_store %arg10[%swap3A_190], %swap3A_193 {strides = array<i32>} : memref<512xf32, #tpu.memory_space<vmem>>, vector<16xf32>,
    %broadcast_in_dim3A_194 = arith.constant 0.000000e+00 : f32
    %broadcast_in_dim3A_195 = vector.broadcast %broadcast_in_dim3A_194 : f32 to vector<16xf32>
    %scan3A_196 = arith.constant 0 : i32
    %scan3A_197 = arith.constant 50 : i32
    %scan3A_198 = arith.addi %scan3A_196, %scan3A_197 : i32
    %scan3A_199 = arith.constant 1 : i32
    %scan3A_200 = scf.for %scan3A_776 = %scan3A_196 to %scan3A_198 step %scan3A_199 iter_args(%scan3A_777 = %broadcast_in_dim3A_195) -> (vector<16xf32>)  : i32 {
      %mul3A_778 = arith.constant 512 : i32
      %mul3A_779 = arith.muli %scan3A_776, %mul3A_778 : i32
      %add3A_780 = arith.constant 256 : i32
      %add3A_781 = arith.addi %mul3A_779, %add3A_780 : i32
      %get3A = arith.index_cast %add3A_781 : i32 to index
      %get3A_782 = tpu.vector_load %arg8[%get3A] {strides = array<i32>} : memref<25600xf32, #tpu.memory_space<vmem>>, vector<16xf32>,
      %get3A_783 = vector.shape_cast %get3A_782 : vector<16xf32> to vector<16xf32>
      %add3A_784 = arith.addf %scan3A_777, %get3A_783 : vector<16xf32>
      scf.yield %add3A_784 : vector<16xf32>
    }
    %scan3A_201 = arith.constant 50 : i32
    %swap3A_202 = arith.constant 256 : index
    %swap3A_203 = tpu.vector_load %arg10[%swap3A_202] {strides = array<i32>} : memref<512xf32, #tpu.memory_space<vmem>>, vector<16xf32>,
    %swap3A_204 = vector.shape_cast %swap3A_203 : vector<16xf32> to vector<16xf32>
    %swap3A_205 = vector.shape_cast %scan3A_200 : vector<16xf32> to vector<16xf32>
    tpu.vector_store %arg10[%swap3A_202], %swap3A_205 {strides = array<i32>} : memref<512xf32, #tpu.memory_space<vmem>>, vector<16xf32>,
    %broadcast_in_dim3A_206 = arith.constant 0.000000e+00 : f32
    %broadcast_in_dim3A_207 = vector.broadcast %broadcast_in_dim3A_206 : f32 to vector<16xf32>
    %scan3A_208 = arith.constant 0 : i32
    %scan3A_209 = arith.constant 50 : i32
    %scan3A_210 = arith.addi %scan3A_208, %scan3A_209 : i32
    %scan3A_211 = arith.constant 1 : i32
    %scan3A_212 = scf.for %scan3A_776 = %scan3A_208 to %scan3A_210 step %scan3A_211 iter_args(%scan3A_777 = %broadcast_in_dim3A_207) -> (vector<16xf32>)  : i32 {
      %mul3A_778 = arith.constant 512 : i32
      %mul3A_779 = arith.muli %scan3A_776, %mul3A_778 : i32
      %add3A_780 = arith.constant 272 : i32
      %add3A_781 = arith.addi %mul3A_779, %add3A_780 : i32
      %get3A = arith.index_cast %add3A_781 : i32 to index
      %get3A_782 = tpu.vector_load %arg8[%get3A] {strides = array<i32>} : memref<25600xf32, #tpu.memory_space<vmem>>, vector<16xf32>,
      %get3A_783 = vector.shape_cast %get3A_782 : vector<16xf32> to vector<16xf32>
      %add3A_784 = arith.addf %scan3A_777, %get3A_783 : vector<16xf32>
      scf.yield %add3A_784 : vector<16xf32>
    }
    %scan3A_213 = arith.constant 50 : i32
    %swap3A_214 = arith.constant 272 : index
    %swap3A_215 = tpu.vector_load %arg10[%swap3A_214] {strides = array<i32>} : memref<512xf32, #tpu.memory_space<vmem>>, vector<16xf32>,
    %swap3A_216 = vector.shape_cast %swap3A_215 : vector<16xf32> to vector<16xf32>
    %swap3A_217 = vector.shape_cast %scan3A_212 : vector<16xf32> to vector<16xf32>
    tpu.vector_store %arg10[%swap3A_214], %swap3A_217 {strides = array<i32>} : memref<512xf32, #tpu.memory_space<vmem>>, vector<16xf32>,
    %broadcast_in_dim3A_218 = arith.constant 0.000000e+00 : f32
    %broadcast_in_dim3A_219 = vector.broadcast %broadcast_in_dim3A_218 : f32 to vector<16xf32>
    %scan3A_220 = arith.constant 0 : i32
    %scan3A_221 = arith.constant 50 : i32
    %scan3A_222 = arith.addi %scan3A_220, %scan3A_221 : i32
    %scan3A_223 = arith.constant 1 : i32
    %scan3A_224 = scf.for %scan3A_776 = %scan3A_220 to %scan3A_222 step %scan3A_223 iter_args(%scan3A_777 = %broadcast_in_dim3A_219) -> (vector<16xf32>)  : i32 {
      %mul3A_778 = arith.constant 512 : i32
      %mul3A_779 = arith.muli %scan3A_776, %mul3A_778 : i32
      %add3A_780 = arith.constant 288 : i32
      %add3A_781 = arith.addi %mul3A_779, %add3A_780 : i32
      %get3A = arith.index_cast %add3A_781 : i32 to index
      %get3A_782 = tpu.vector_load %arg8[%get3A] {strides = array<i32>} : memref<25600xf32, #tpu.memory_space<vmem>>, vector<16xf32>,
      %get3A_783 = vector.shape_cast %get3A_782 : vector<16xf32> to vector<16xf32>
      %add3A_784 = arith.addf %scan3A_777, %get3A_783 : vector<16xf32>
      scf.yield %add3A_784 : vector<16xf32>
    }
    %scan3A_225 = arith.constant 50 : i32
    %swap3A_226 = arith.constant 288 : index
    %swap3A_227 = tpu.vector_load %arg10[%swap3A_226] {strides = array<i32>} : memref<512xf32, #tpu.memory_space<vmem>>, vector<16xf32>,
    %swap3A_228 = vector.shape_cast %swap3A_227 : vector<16xf32> to vector<16xf32>
    %swap3A_229 = vector.shape_cast %scan3A_224 : vector<16xf32> to vector<16xf32>
    tpu.vector_store %arg10[%swap3A_226], %swap3A_229 {strides = array<i32>} : memref<512xf32, #tpu.memory_space<vmem>>, vector<16xf32>,
    %broadcast_in_dim3A_230 = arith.constant 0.000000e+00 : f32
    %broadcast_in_dim3A_231 = vector.broadcast %broadcast_in_dim3A_230 : f32 to vector<16xf32>
    %scan3A_232 = arith.constant 0 : i32
    %scan3A_233 = arith.constant 50 : i32
    %scan3A_234 = arith.addi %scan3A_232, %scan3A_233 : i32
    %scan3A_235 = arith.constant 1 : i32
    %scan3A_236 = scf.for %scan3A_776 = %scan3A_232 to %scan3A_234 step %scan3A_235 iter_args(%scan3A_777 = %broadcast_in_dim3A_231) -> (vector<16xf32>)  : i32 {
      %mul3A_778 = arith.constant 512 : i32
      %mul3A_779 = arith.muli %scan3A_776, %mul3A_778 : i32
      %add3A_780 = arith.constant 304 : i32
      %add3A_781 = arith.addi %mul3A_779, %add3A_780 : i32
      %get3A = arith.index_cast %add3A_781 : i32 to index
      %get3A_782 = tpu.vector_load %arg8[%get3A] {strides = array<i32>} : memref<25600xf32, #tpu.memory_space<vmem>>, vector<16xf32>,
      %get3A_783 = vector.shape_cast %get3A_782 : vector<16xf32> to vector<16xf32>
      %add3A_784 = arith.addf %scan3A_777, %get3A_783 : vector<16xf32>
      scf.yield %add3A_784 : vector<16xf32>
    }
    %scan3A_237 = arith.constant 50 : i32
    %swap3A_238 = arith.constant 304 : index
    %swap3A_239 = tpu.vector_load %arg10[%swap3A_238] {strides = array<i32>} : memref<512xf32, #tpu.memory_space<vmem>>, vector<16xf32>,
    %swap3A_240 = vector.shape_cast %swap3A_239 : vector<16xf32> to vector<16xf32>
    %swap3A_241 = vector.shape_cast %scan3A_236 : vector<16xf32> to vector<16xf32>
    tpu.vector_store %arg10[%swap3A_238], %swap3A_241 {strides = array<i32>} : memref<512xf32, #tpu.memory_space<vmem>>, vector<16xf32>,
    %broadcast_in_dim3A_242 = arith.constant 0.000000e+00 : f32
    %broadcast_in_dim3A_243 = vector.broadcast %broadcast_in_dim3A_242 : f32 to vector<16xf32>
    %scan3A_244 = arith.constant 0 : i32
    %scan3A_245 = arith.constant 50 : i32
    %scan3A_246 = arith.addi %scan3A_244, %scan3A_245 : i32
    %scan3A_247 = arith.constant 1 : i32
    %scan3A_248 = scf.for %scan3A_776 = %scan3A_244 to %scan3A_246 step %scan3A_247 iter_args(%scan3A_777 = %broadcast_in_dim3A_243) -> (vector<16xf32>)  : i32 {
      %mul3A_778 = arith.constant 512 : i32
      %mul3A_779 = arith.muli %scan3A_776, %mul3A_778 : i32
      %add3A_780 = arith.constant 320 : i32
      %add3A_781 = arith.addi %mul3A_779, %add3A_780 : i32
      %get3A = arith.index_cast %add3A_781 : i32 to index
      %get3A_782 = tpu.vector_load %arg8[%get3A] {strides = array<i32>} : memref<25600xf32, #tpu.memory_space<vmem>>, vector<16xf32>,
      %get3A_783 = vector.shape_cast %get3A_782 : vector<16xf32> to vector<16xf32>
      %add3A_784 = arith.addf %scan3A_777, %get3A_783 : vector<16xf32>
      scf.yield %add3A_784 : vector<16xf32>
    }
    %scan3A_249 = arith.constant 50 : i32
    %swap3A_250 = arith.constant 320 : index
    %swap3A_251 = tpu.vector_load %arg10[%swap3A_250] {strides = array<i32>} : memref<512xf32, #tpu.memory_space<vmem>>, vector<16xf32>,
    %swap3A_252 = vector.shape_cast %swap3A_251 : vector<16xf32> to vector<16xf32>
    %swap3A_253 = vector.shape_cast %scan3A_248 : vector<16xf32> to vector<16xf32>
    tpu.vector_store %arg10[%swap3A_250], %swap3A_253 {strides = array<i32>} : memref<512xf32, #tpu.memory_space<vmem>>, vector<16xf32>,
    %broadcast_in_dim3A_254 = arith.constant 0.000000e+00 : f32
    %broadcast_in_dim3A_255 = vector.broadcast %broadcast_in_dim3A_254 : f32 to vector<16xf32>
    %scan3A_256 = arith.constant 0 : i32
    %scan3A_257 = arith.constant 50 : i32
    %scan3A_258 = arith.addi %scan3A_256, %scan3A_257 : i32
    %scan3A_259 = arith.constant 1 : i32
    %scan3A_260 = scf.for %scan3A_776 = %scan3A_256 to %scan3A_258 step %scan3A_259 iter_args(%scan3A_777 = %broadcast_in_dim3A_255) -> (vector<16xf32>)  : i32 {
      %mul3A_778 = arith.constant 512 : i32
      %mul3A_779 = arith.muli %scan3A_776, %mul3A_778 : i32
      %add3A_780 = arith.constant 336 : i32
      %add3A_781 = arith.addi %mul3A_779, %add3A_780 : i32
      %get3A = arith.index_cast %add3A_781 : i32 to index
      %get3A_782 = tpu.vector_load %arg8[%get3A] {strides = array<i32>} : memref<25600xf32, #tpu.memory_space<vmem>>, vector<16xf32>,
      %get3A_783 = vector.shape_cast %get3A_782 : vector<16xf32> to vector<16xf32>
      %add3A_784 = arith.addf %scan3A_777, %get3A_783 : vector<16xf32>
      scf.yield %add3A_784 : vector<16xf32>
    }
    %scan3A_261 = arith.constant 50 : i32
    %swap3A_262 = arith.constant 336 : index
    %swap3A_263 = tpu.vector_load %arg10[%swap3A_262] {strides = array<i32>} : memref<512xf32, #tpu.memory_space<vmem>>, vector<16xf32>,
    %swap3A_264 = vector.shape_cast %swap3A_263 : vector<16xf32> to vector<16xf32>
    %swap3A_265 = vector.shape_cast %scan3A_260 : vector<16xf32> to vector<16xf32>
    tpu.vector_store %arg10[%swap3A_262], %swap3A_265 {strides = array<i32>} : memref<512xf32, #tpu.memory_space<vmem>>, vector<16xf32>,
    %broadcast_in_dim3A_266 = arith.constant 0.000000e+00 : f32
    %broadcast_in_dim3A_267 = vector.broadcast %broadcast_in_dim3A_266 : f32 to vector<16xf32>
    %scan3A_268 = arith.constant 0 : i32
    %scan3A_269 = arith.constant 50 : i32
    %scan3A_270 = arith.addi %scan3A_268, %scan3A_269 : i32
    %scan3A_271 = arith.constant 1 : i32
    %scan3A_272 = scf.for %scan3A_776 = %scan3A_268 to %scan3A_270 step %scan3A_271 iter_args(%scan3A_777 = %broadcast_in_dim3A_267) -> (vector<16xf32>)  : i32 {
      %mul3A_778 = arith.constant 512 : i32
      %mul3A_779 = arith.muli %scan3A_776, %mul3A_778 : i32
      %add3A_780 = arith.constant 352 : i32
      %add3A_781 = arith.addi %mul3A_779, %add3A_780 : i32
      %get3A = arith.index_cast %add3A_781 : i32 to index
      %get3A_782 = tpu.vector_load %arg8[%get3A] {strides = array<i32>} : memref<25600xf32, #tpu.memory_space<vmem>>, vector<16xf32>,
      %get3A_783 = vector.shape_cast %get3A_782 : vector<16xf32> to vector<16xf32>
      %add3A_784 = arith.addf %scan3A_777, %get3A_783 : vector<16xf32>
      scf.yield %add3A_784 : vector<16xf32>
    }
    %scan3A_273 = arith.constant 50 : i32
    %swap3A_274 = arith.constant 352 : index
    %swap3A_275 = tpu.vector_load %arg10[%swap3A_274] {strides = array<i32>} : memref<512xf32, #tpu.memory_space<vmem>>, vector<16xf32>,
    %swap3A_276 = vector.shape_cast %swap3A_275 : vector<16xf32> to vector<16xf32>
    %swap3A_277 = vector.shape_cast %scan3A_272 : vector<16xf32> to vector<16xf32>
    tpu.vector_store %arg10[%swap3A_274], %swap3A_277 {strides = array<i32>} : memref<512xf32, #tpu.memory_space<vmem>>, vector<16xf32>,
    %broadcast_in_dim3A_278 = arith.constant 0.000000e+00 : f32
    %broadcast_in_dim3A_279 = vector.broadcast %broadcast_in_dim3A_278 : f32 to vector<16xf32>
    %scan3A_280 = arith.constant 0 : i32
    %scan3A_281 = arith.constant 50 : i32
    %scan3A_282 = arith.addi %scan3A_280, %scan3A_281 : i32
    %scan3A_283 = arith.constant 1 : i32
    %scan3A_284 = scf.for %scan3A_776 = %scan3A_280 to %scan3A_282 step %scan3A_283 iter_args(%scan3A_777 = %broadcast_in_dim3A_279) -> (vector<16xf32>)  : i32 {
      %mul3A_778 = arith.constant 512 : i32
      %mul3A_779 = arith.muli %scan3A_776, %mul3A_778 : i32
      %add3A_780 = arith.constant 368 : i32
      %add3A_781 = arith.addi %mul3A_779, %add3A_780 : i32
      %get3A = arith.index_cast %add3A_781 : i32 to index
      %get3A_782 = tpu.vector_load %arg8[%get3A] {strides = array<i32>} : memref<25600xf32, #tpu.memory_space<vmem>>, vector<16xf32>,
      %get3A_783 = vector.shape_cast %get3A_782 : vector<16xf32> to vector<16xf32>
      %add3A_784 = arith.addf %scan3A_777, %get3A_783 : vector<16xf32>
      scf.yield %add3A_784 : vector<16xf32>
    }
    %scan3A_285 = arith.constant 50 : i32
    %swap3A_286 = arith.constant 368 : index
    %swap3A_287 = tpu.vector_load %arg10[%swap3A_286] {strides = array<i32>} : memref<512xf32, #tpu.memory_space<vmem>>, vector<16xf32>,
    %swap3A_288 = vector.shape_cast %swap3A_287 : vector<16xf32> to vector<16xf32>
    %swap3A_289 = vector.shape_cast %scan3A_284 : vector<16xf32> to vector<16xf32>
    tpu.vector_store %arg10[%swap3A_286], %swap3A_289 {strides = array<i32>} : memref<512xf32, #tpu.memory_space<vmem>>, vector<16xf32>,
    %broadcast_in_dim3A_290 = arith.constant 0.000000e+00 : f32
    %broadcast_in_dim3A_291 = vector.broadcast %broadcast_in_dim3A_290 : f32 to vector<16xf32>
    %scan3A_292 = arith.constant 0 : i32
    %scan3A_293 = arith.constant 50 : i32
    %scan3A_294 = arith.addi %scan3A_292, %scan3A_293 : i32
    %scan3A_295 = arith.constant 1 : i32
    %scan3A_296 = scf.for %scan3A_776 = %scan3A_292 to %scan3A_294 step %scan3A_295 iter_args(%scan3A_777 = %broadcast_in_dim3A_291) -> (vector<16xf32>)  : i32 {
      %mul3A_778 = arith.constant 512 : i32
      %mul3A_779 = arith.muli %scan3A_776, %mul3A_778 : i32
      %add3A_780 = arith.constant 384 : i32
      %add3A_781 = arith.addi %mul3A_779, %add3A_780 : i32
      %get3A = arith.index_cast %add3A_781 : i32 to index
      %get3A_782 = tpu.vector_load %arg8[%get3A] {strides = array<i32>} : memref<25600xf32, #tpu.memory_space<vmem>>, vector<16xf32>,
      %get3A_783 = vector.shape_cast %get3A_782 : vector<16xf32> to vector<16xf32>
      %add3A_784 = arith.addf %scan3A_777, %get3A_783 : vector<16xf32>
      scf.yield %add3A_784 : vector<16xf32>
    }
    %scan3A_297 = arith.constant 50 : i32
    %swap3A_298 = arith.constant 384 : index
    %swap3A_299 = tpu.vector_load %arg10[%swap3A_298] {strides = array<i32>} : memref<512xf32, #tpu.memory_space<vmem>>, vector<16xf32>,
    %swap3A_300 = vector.shape_cast %swap3A_299 : vector<16xf32> to vector<16xf32>
    %swap3A_301 = vector.shape_cast %scan3A_296 : vector<16xf32> to vector<16xf32>
    tpu.vector_store %arg10[%swap3A_298], %swap3A_301 {strides = array<i32>} : memref<512xf32, #tpu.memory_space<vmem>>, vector<16xf32>,
    %broadcast_in_dim3A_302 = arith.constant 0.000000e+00 : f32
    %broadcast_in_dim3A_303 = vector.broadcast %broadcast_in_dim3A_302 : f32 to vector<16xf32>
    %scan3A_304 = arith.constant 0 : i32
    %scan3A_305 = arith.constant 50 : i32
    %scan3A_306 = arith.addi %scan3A_304, %scan3A_305 : i32
    %scan3A_307 = arith.constant 1 : i32
    %scan3A_308 = scf.for %scan3A_776 = %scan3A_304 to %scan3A_306 step %scan3A_307 iter_args(%scan3A_777 = %broadcast_in_dim3A_303) -> (vector<16xf32>)  : i32 {
      %mul3A_778 = arith.constant 512 : i32
      %mul3A_779 = arith.muli %scan3A_776, %mul3A_778 : i32
      %add3A_780 = arith.constant 400 : i32
      %add3A_781 = arith.addi %mul3A_779, %add3A_780 : i32
      %get3A = arith.index_cast %add3A_781 : i32 to index
      %get3A_782 = tpu.vector_load %arg8[%get3A] {strides = array<i32>} : memref<25600xf32, #tpu.memory_space<vmem>>, vector<16xf32>,
      %get3A_783 = vector.shape_cast %get3A_782 : vector<16xf32> to vector<16xf32>
      %add3A_784 = arith.addf %scan3A_777, %get3A_783 : vector<16xf32>
      scf.yield %add3A_784 : vector<16xf32>
    }
    %scan3A_309 = arith.constant 50 : i32
    %swap3A_310 = arith.constant 400 : index
    %swap3A_311 = tpu.vector_load %arg10[%swap3A_310] {strides = array<i32>} : memref<512xf32, #tpu.memory_space<vmem>>, vector<16xf32>,
    %swap3A_312 = vector.shape_cast %swap3A_311 : vector<16xf32> to vector<16xf32>
    %swap3A_313 = vector.shape_cast %scan3A_308 : vector<16xf32> to vector<16xf32>
    tpu.vector_store %arg10[%swap3A_310], %swap3A_313 {strides = array<i32>} : memref<512xf32, #tpu.memory_space<vmem>>, vector<16xf32>,
    %broadcast_in_dim3A_314 = arith.constant 0.000000e+00 : f32
    %broadcast_in_dim3A_315 = vector.broadcast %broadcast_in_dim3A_314 : f32 to vector<16xf32>
    %scan3A_316 = arith.constant 0 : i32
    %scan3A_317 = arith.constant 50 : i32
    %scan3A_318 = arith.addi %scan3A_316, %scan3A_317 : i32
    %scan3A_319 = arith.constant 1 : i32
    %scan3A_320 = scf.for %scan3A_776 = %scan3A_316 to %scan3A_318 step %scan3A_319 iter_args(%scan3A_777 = %broadcast_in_dim3A_315) -> (vector<16xf32>)  : i32 {
      %mul3A_778 = arith.constant 512 : i32
      %mul3A_779 = arith.muli %scan3A_776, %mul3A_778 : i32
      %add3A_780 = arith.constant 416 : i32
      %add3A_781 = arith.addi %mul3A_779, %add3A_780 : i32
      %get3A = arith.index_cast %add3A_781 : i32 to index
      %get3A_782 = tpu.vector_load %arg8[%get3A] {strides = array<i32>} : memref<25600xf32, #tpu.memory_space<vmem>>, vector<16xf32>,
      %get3A_783 = vector.shape_cast %get3A_782 : vector<16xf32> to vector<16xf32>
      %add3A_784 = arith.addf %scan3A_777, %get3A_783 : vector<16xf32>
      scf.yield %add3A_784 : vector<16xf32>
    }
    %scan3A_321 = arith.constant 50 : i32
    %swap3A_322 = arith.constant 416 : index
    %swap3A_323 = tpu.vector_load %arg10[%swap3A_322] {strides = array<i32>} : memref<512xf32, #tpu.memory_space<vmem>>, vector<16xf32>,
    %swap3A_324 = vector.shape_cast %swap3A_323 : vector<16xf32> to vector<16xf32>
    %swap3A_325 = vector.shape_cast %scan3A_320 : vector<16xf32> to vector<16xf32>
    tpu.vector_store %arg10[%swap3A_322], %swap3A_325 {strides = array<i32>} : memref<512xf32, #tpu.memory_space<vmem>>, vector<16xf32>,
    %broadcast_in_dim3A_326 = arith.constant 0.000000e+00 : f32
    %broadcast_in_dim3A_327 = vector.broadcast %broadcast_in_dim3A_326 : f32 to vector<16xf32>
    %scan3A_328 = arith.constant 0 : i32
    %scan3A_329 = arith.constant 50 : i32
    %scan3A_330 = arith.addi %scan3A_328, %scan3A_329 : i32
    %scan3A_331 = arith.constant 1 : i32
    %scan3A_332 = scf.for %scan3A_776 = %scan3A_328 to %scan3A_330 step %scan3A_331 iter_args(%scan3A_777 = %broadcast_in_dim3A_327) -> (vector<16xf32>)  : i32 {
      %mul3A_778 = arith.constant 512 : i32
      %mul3A_779 = arith.muli %scan3A_776, %mul3A_778 : i32
      %add3A_780 = arith.constant 432 : i32
      %add3A_781 = arith.addi %mul3A_779, %add3A_780 : i32
      %get3A = arith.index_cast %add3A_781 : i32 to index
      %get3A_782 = tpu.vector_load %arg8[%get3A] {strides = array<i32>} : memref<25600xf32, #tpu.memory_space<vmem>>, vector<16xf32>,
      %get3A_783 = vector.shape_cast %get3A_782 : vector<16xf32> to vector<16xf32>
      %add3A_784 = arith.addf %scan3A_777, %get3A_783 : vector<16xf32>
      scf.yield %add3A_784 : vector<16xf32>
    }
    %scan3A_333 = arith.constant 50 : i32
    %swap3A_334 = arith.constant 432 : index
    %swap3A_335 = tpu.vector_load %arg10[%swap3A_334] {strides = array<i32>} : memref<512xf32, #tpu.memory_space<vmem>>, vector<16xf32>,
    %swap3A_336 = vector.shape_cast %swap3A_335 : vector<16xf32> to vector<16xf32>
    %swap3A_337 = vector.shape_cast %scan3A_332 : vector<16xf32> to vector<16xf32>
    tpu.vector_store %arg10[%swap3A_334], %swap3A_337 {strides = array<i32>} : memref<512xf32, #tpu.memory_space<vmem>>, vector<16xf32>,
    %broadcast_in_dim3A_338 = arith.constant 0.000000e+00 : f32
    %broadcast_in_dim3A_339 = vector.broadcast %broadcast_in_dim3A_338 : f32 to vector<16xf32>
    %scan3A_340 = arith.constant 0 : i32
    %scan3A_341 = arith.constant 50 : i32
    %scan3A_342 = arith.addi %scan3A_340, %scan3A_341 : i32
    %scan3A_343 = arith.constant 1 : i32
    %scan3A_344 = scf.for %scan3A_776 = %scan3A_340 to %scan3A_342 step %scan3A_343 iter_args(%scan3A_777 = %broadcast_in_dim3A_339) -> (vector<16xf32>)  : i32 {
      %mul3A_778 = arith.constant 512 : i32
      %mul3A_779 = arith.muli %scan3A_776, %mul3A_778 : i32
      %add3A_780 = arith.constant 448 : i32
      %add3A_781 = arith.addi %mul3A_779, %add3A_780 : i32
      %get3A = arith.index_cast %add3A_781 : i32 to index
      %get3A_782 = tpu.vector_load %arg8[%get3A] {strides = array<i32>} : memref<25600xf32, #tpu.memory_space<vmem>>, vector<16xf32>,
      %get3A_783 = vector.shape_cast %get3A_782 : vector<16xf32> to vector<16xf32>
      %add3A_784 = arith.addf %scan3A_777, %get3A_783 : vector<16xf32>
      scf.yield %add3A_784 : vector<16xf32>
    }
    %scan3A_345 = arith.constant 50 : i32
    %swap3A_346 = arith.constant 448 : index
    %swap3A_347 = tpu.vector_load %arg10[%swap3A_346] {strides = array<i32>} : memref<512xf32, #tpu.memory_space<vmem>>, vector<16xf32>,
    %swap3A_348 = vector.shape_cast %swap3A_347 : vector<16xf32> to vector<16xf32>
    %swap3A_349 = vector.shape_cast %scan3A_344 : vector<16xf32> to vector<16xf32>
    tpu.vector_store %arg10[%swap3A_346], %swap3A_349 {strides = array<i32>} : memref<512xf32, #tpu.memory_space<vmem>>, vector<16xf32>,
    %broadcast_in_dim3A_350 = arith.constant 0.000000e+00 : f32
    %broadcast_in_dim3A_351 = vector.broadcast %broadcast_in_dim3A_350 : f32 to vector<16xf32>
    %scan3A_352 = arith.constant 0 : i32
    %scan3A_353 = arith.constant 50 : i32
    %scan3A_354 = arith.addi %scan3A_352, %scan3A_353 : i32
    %scan3A_355 = arith.constant 1 : i32
    %scan3A_356 = scf.for %scan3A_776 = %scan3A_352 to %scan3A_354 step %scan3A_355 iter_args(%scan3A_777 = %broadcast_in_dim3A_351) -> (vector<16xf32>)  : i32 {
      %mul3A_778 = arith.constant 512 : i32
      %mul3A_779 = arith.muli %scan3A_776, %mul3A_778 : i32
      %add3A_780 = arith.constant 464 : i32
      %add3A_781 = arith.addi %mul3A_779, %add3A_780 : i32
      %get3A = arith.index_cast %add3A_781 : i32 to index
      %get3A_782 = tpu.vector_load %arg8[%get3A] {strides = array<i32>} : memref<25600xf32, #tpu.memory_space<vmem>>, vector<16xf32>,
      %get3A_783 = vector.shape_cast %get3A_782 : vector<16xf32> to vector<16xf32>
      %add3A_784 = arith.addf %scan3A_777, %get3A_783 : vector<16xf32>
      scf.yield %add3A_784 : vector<16xf32>
    }
    %scan3A_357 = arith.constant 50 : i32
    %swap3A_358 = arith.constant 464 : index
    %swap3A_359 = tpu.vector_load %arg10[%swap3A_358] {strides = array<i32>} : memref<512xf32, #tpu.memory_space<vmem>>, vector<16xf32>,
    %swap3A_360 = vector.shape_cast %swap3A_359 : vector<16xf32> to vector<16xf32>
    %swap3A_361 = vector.shape_cast %scan3A_356 : vector<16xf32> to vector<16xf32>
    tpu.vector_store %arg10[%swap3A_358], %swap3A_361 {strides = array<i32>} : memref<512xf32, #tpu.memory_space<vmem>>, vector<16xf32>,
    %broadcast_in_dim3A_362 = arith.constant 0.000000e+00 : f32
    %broadcast_in_dim3A_363 = vector.broadcast %broadcast_in_dim3A_362 : f32 to vector<16xf32>
    %scan3A_364 = arith.constant 0 : i32
    %scan3A_365 = arith.constant 50 : i32
    %scan3A_366 = arith.addi %scan3A_364, %scan3A_365 : i32
    %scan3A_367 = arith.constant 1 : i32
    %scan3A_368 = scf.for %scan3A_776 = %scan3A_364 to %scan3A_366 step %scan3A_367 iter_args(%scan3A_777 = %broadcast_in_dim3A_363) -> (vector<16xf32>)  : i32 {
      %mul3A_778 = arith.constant 512 : i32
      %mul3A_779 = arith.muli %scan3A_776, %mul3A_778 : i32
      %add3A_780 = arith.constant 480 : i32
      %add3A_781 = arith.addi %mul3A_779, %add3A_780 : i32
      %get3A = arith.index_cast %add3A_781 : i32 to index
      %get3A_782 = tpu.vector_load %arg8[%get3A] {strides = array<i32>} : memref<25600xf32, #tpu.memory_space<vmem>>, vector<16xf32>,
      %get3A_783 = vector.shape_cast %get3A_782 : vector<16xf32> to vector<16xf32>
      %add3A_784 = arith.addf %scan3A_777, %get3A_783 : vector<16xf32>
      scf.yield %add3A_784 : vector<16xf32>
    }
    %scan3A_369 = arith.constant 50 : i32
    %swap3A_370 = arith.constant 480 : index
    %swap3A_371 = tpu.vector_load %arg10[%swap3A_370] {strides = array<i32>} : memref<512xf32, #tpu.memory_space<vmem>>, vector<16xf32>,
    %swap3A_372 = vector.shape_cast %swap3A_371 : vector<16xf32> to vector<16xf32>
    %swap3A_373 = vector.shape_cast %scan3A_368 : vector<16xf32> to vector<16xf32>
    tpu.vector_store %arg10[%swap3A_370], %swap3A_373 {strides = array<i32>} : memref<512xf32, #tpu.memory_space<vmem>>, vector<16xf32>,
    %broadcast_in_dim3A_374 = arith.constant 0.000000e+00 : f32
    %broadcast_in_dim3A_375 = vector.broadcast %broadcast_in_dim3A_374 : f32 to vector<16xf32>
    %scan3A_376 = arith.constant 0 : i32
    %scan3A_377 = arith.constant 50 : i32
    %scan3A_378 = arith.addi %scan3A_376, %scan3A_377 : i32
    %scan3A_379 = arith.constant 1 : i32
    %scan3A_380 = scf.for %scan3A_776 = %scan3A_376 to %scan3A_378 step %scan3A_379 iter_args(%scan3A_777 = %broadcast_in_dim3A_375) -> (vector<16xf32>)  : i32 {
      %mul3A_778 = arith.constant 512 : i32
      %mul3A_779 = arith.muli %scan3A_776, %mul3A_778 : i32
      %add3A_780 = arith.constant 496 : i32
      %add3A_781 = arith.addi %mul3A_779, %add3A_780 : i32
      %get3A = arith.index_cast %add3A_781 : i32 to index
      %get3A_782 = tpu.vector_load %arg8[%get3A] {strides = array<i32>} : memref<25600xf32, #tpu.memory_space<vmem>>, vector<16xf32>,
      %get3A_783 = vector.shape_cast %get3A_782 : vector<16xf32> to vector<16xf32>
      %add3A_784 = arith.addf %scan3A_777, %get3A_783 : vector<16xf32>
      scf.yield %add3A_784 : vector<16xf32>
    }
    %scan3A_381 = arith.constant 50 : i32
    %swap3A_382 = arith.constant 496 : index
    %swap3A_383 = tpu.vector_load %arg10[%swap3A_382] {strides = array<i32>} : memref<512xf32, #tpu.memory_space<vmem>>, vector<16xf32>,
    %swap3A_384 = vector.shape_cast %swap3A_383 : vector<16xf32> to vector<16xf32>
    %swap3A_385 = vector.shape_cast %scan3A_380 : vector<16xf32> to vector<16xf32>
    tpu.vector_store %arg10[%swap3A_382], %swap3A_385 {strides = array<i32>} : memref<512xf32, #tpu.memory_space<vmem>>, vector<16xf32>,
    %mul3A_386 = arith.constant 512 : i32
    %mul3A_387 = arith.muli %add3A, %mul3A_386 : i32
    "tpu.region"() ({
      %run_scoped3A = tpu.sem_alloc : memref<!tpu.dma_semaphore, #tpu.memory_space<semaphore_mem>>
      %dma_start3A_776 = tpu.memref_slice %arg5[%mul3A_387] : memref<16384xf32, #tpu.memory_space<hbm>> -> memref<512xf32, #tpu.memory_space<hbm>>
      %dma_start3A_777 = tpu.memref_slice %arg5[%mul3A_387] : memref<16384xf32, #tpu.memory_space<hbm>> -> memref<512xf32, #tpu.memory_space<hbm>>
      tpu.enqueue_dma source(%arg10 : memref<512xf32, #tpu.memory_space<vmem>>) target(%dma_start3A_777 : memref<512xf32, #tpu.memory_space<hbm>>) target_semaphore(%run_scoped3A : memref<!tpu.dma_semaphore, #tpu.memory_space<semaphore_mem>>)
      %dma_wait3A_778 = tpu.memref_slice %arg5[%mul3A_387] : memref<16384xf32, #tpu.memory_space<hbm>> -> memref<512xf32, #tpu.memory_space<hbm>>
      %dma_wait3A_779 = tpu.memref_slice %arg5[%mul3A_387] : memref<16384xf32, #tpu.memory_space<hbm>> -> memref<512xf32, #tpu.memory_space<hbm>>
      tpu.wait_dma2 semaphore(%run_scoped3A : memref<!tpu.dma_semaphore, #tpu.memory_space<semaphore_mem>>) src(%arg10 : memref<512xf32, #tpu.memory_space<vmem>>) dst(%dma_wait3A_779 : memref<512xf32, #tpu.memory_space<hbm>>)
      tpu.yield
    }) : () -> ()
    %dma_wait3A_388 = arith.constant 0 : i32
    %dma_wait3A_389 = tpu.memref_slice %arg3[%dma_wait3A_388] : memref<1000000xf32, #tpu.memory_space<hbm>> -> memref<1000000xf32, #tpu.memory_space<hbm>>
    tpu.wait_indirect_dma semaphore(%arg12 : memref<!tpu.dma_semaphore, #tpu.memory_space<semaphore_mem>>) src(%dma_wait3A_389 : memref<1000000xf32, #tpu.memory_space<hbm>>) dst(%arg9 : memref<25600xf32, #tpu.memory_space<vmem>>)
    %broadcast_in_dim3A_390 = arith.constant 0.000000e+00 : f32
    %broadcast_in_dim3A_391 = vector.broadcast %broadcast_in_dim3A_390 : f32 to vector<16xf32>
    %scan3A_392 = arith.constant 0 : i32
    %scan3A_393 = arith.constant 50 : i32
    %scan3A_394 = arith.addi %scan3A_392, %scan3A_393 : i32
    %scan3A_395 = arith.constant 1 : i32
    %scan3A_396 = scf.for %scan3A_776 = %scan3A_392 to %scan3A_394 step %scan3A_395 iter_args(%scan3A_777 = %broadcast_in_dim3A_391) -> (vector<16xf32>)  : i32 {
      %mul3A_778 = arith.constant 512 : i32
      %mul3A_779 = arith.muli %scan3A_776, %mul3A_778 : i32
      %add3A_780 = arith.constant 0 : i32
      %add3A_781 = arith.addi %mul3A_779, %add3A_780 : i32
      %get3A = arith.index_cast %add3A_781 : i32 to index
      %get3A_782 = tpu.vector_load %arg9[%get3A] {strides = array<i32>} : memref<25600xf32, #tpu.memory_space<vmem>>, vector<16xf32>,
      %get3A_783 = vector.shape_cast %get3A_782 : vector<16xf32> to vector<16xf32>
      %add3A_784 = arith.addf %scan3A_777, %get3A_783 : vector<16xf32>
      scf.yield %add3A_784 : vector<16xf32>
    }
    %scan3A_397 = arith.constant 50 : i32
    %swap3A_398 = arith.constant 0 : index
    %swap3A_399 = tpu.vector_load %arg10[%swap3A_398] {strides = array<i32>} : memref<512xf32, #tpu.memory_space<vmem>>, vector<16xf32>,
    %swap3A_400 = vector.shape_cast %swap3A_399 : vector<16xf32> to vector<16xf32>
    %swap3A_401 = vector.shape_cast %scan3A_396 : vector<16xf32> to vector<16xf32>
    tpu.vector_store %arg10[%swap3A_398], %swap3A_401 {strides = array<i32>} : memref<512xf32, #tpu.memory_space<vmem>>, vector<16xf32>,
    %broadcast_in_dim3A_402 = arith.constant 0.000000e+00 : f32
    %broadcast_in_dim3A_403 = vector.broadcast %broadcast_in_dim3A_402 : f32 to vector<16xf32>
    %scan3A_404 = arith.constant 0 : i32
    %scan3A_405 = arith.constant 50 : i32
    %scan3A_406 = arith.addi %scan3A_404, %scan3A_405 : i32
    %scan3A_407 = arith.constant 1 : i32
    %scan3A_408 = scf.for %scan3A_776 = %scan3A_404 to %scan3A_406 step %scan3A_407 iter_args(%scan3A_777 = %broadcast_in_dim3A_403) -> (vector<16xf32>)  : i32 {
      %mul3A_778 = arith.constant 512 : i32
      %mul3A_779 = arith.muli %scan3A_776, %mul3A_778 : i32
      %add3A_780 = arith.constant 16 : i32
      %add3A_781 = arith.addi %mul3A_779, %add3A_780 : i32
      %get3A = arith.index_cast %add3A_781 : i32 to index
      %get3A_782 = tpu.vector_load %arg9[%get3A] {strides = array<i32>} : memref<25600xf32, #tpu.memory_space<vmem>>, vector<16xf32>,
      %get3A_783 = vector.shape_cast %get3A_782 : vector<16xf32> to vector<16xf32>
      %add3A_784 = arith.addf %scan3A_777, %get3A_783 : vector<16xf32>
      scf.yield %add3A_784 : vector<16xf32>
    }
    %scan3A_409 = arith.constant 50 : i32
    %swap3A_410 = arith.constant 16 : index
    %swap3A_411 = tpu.vector_load %arg10[%swap3A_410] {strides = array<i32>} : memref<512xf32, #tpu.memory_space<vmem>>, vector<16xf32>,
    %swap3A_412 = vector.shape_cast %swap3A_411 : vector<16xf32> to vector<16xf32>
    %swap3A_413 = vector.shape_cast %scan3A_408 : vector<16xf32> to vector<16xf32>
    tpu.vector_store %arg10[%swap3A_410], %swap3A_413 {strides = array<i32>} : memref<512xf32, #tpu.memory_space<vmem>>, vector<16xf32>,
    %broadcast_in_dim3A_414 = arith.constant 0.000000e+00 : f32
    %broadcast_in_dim3A_415 = vector.broadcast %broadcast_in_dim3A_414 : f32 to vector<16xf32>
    %scan3A_416 = arith.constant 0 : i32
    %scan3A_417 = arith.constant 50 : i32
    %scan3A_418 = arith.addi %scan3A_416, %scan3A_417 : i32
    %scan3A_419 = arith.constant 1 : i32
    %scan3A_420 = scf.for %scan3A_776 = %scan3A_416 to %scan3A_418 step %scan3A_419 iter_args(%scan3A_777 = %broadcast_in_dim3A_415) -> (vector<16xf32>)  : i32 {
      %mul3A_778 = arith.constant 512 : i32
      %mul3A_779 = arith.muli %scan3A_776, %mul3A_778 : i32
      %add3A_780 = arith.constant 32 : i32
      %add3A_781 = arith.addi %mul3A_779, %add3A_780 : i32
      %get3A = arith.index_cast %add3A_781 : i32 to index
      %get3A_782 = tpu.vector_load %arg9[%get3A] {strides = array<i32>} : memref<25600xf32, #tpu.memory_space<vmem>>, vector<16xf32>,
      %get3A_783 = vector.shape_cast %get3A_782 : vector<16xf32> to vector<16xf32>
      %add3A_784 = arith.addf %scan3A_777, %get3A_783 : vector<16xf32>
      scf.yield %add3A_784 : vector<16xf32>
    }
    %scan3A_421 = arith.constant 50 : i32
    %swap3A_422 = arith.constant 32 : index
    %swap3A_423 = tpu.vector_load %arg10[%swap3A_422] {strides = array<i32>} : memref<512xf32, #tpu.memory_space<vmem>>, vector<16xf32>,
    %swap3A_424 = vector.shape_cast %swap3A_423 : vector<16xf32> to vector<16xf32>
    %swap3A_425 = vector.shape_cast %scan3A_420 : vector<16xf32> to vector<16xf32>
    tpu.vector_store %arg10[%swap3A_422], %swap3A_425 {strides = array<i32>} : memref<512xf32, #tpu.memory_space<vmem>>, vector<16xf32>,
    %broadcast_in_dim3A_426 = arith.constant 0.000000e+00 : f32
    %broadcast_in_dim3A_427 = vector.broadcast %broadcast_in_dim3A_426 : f32 to vector<16xf32>
    %scan3A_428 = arith.constant 0 : i32
    %scan3A_429 = arith.constant 50 : i32
    %scan3A_430 = arith.addi %scan3A_428, %scan3A_429 : i32
    %scan3A_431 = arith.constant 1 : i32
    %scan3A_432 = scf.for %scan3A_776 = %scan3A_428 to %scan3A_430 step %scan3A_431 iter_args(%scan3A_777 = %broadcast_in_dim3A_427) -> (vector<16xf32>)  : i32 {
      %mul3A_778 = arith.constant 512 : i32
      %mul3A_779 = arith.muli %scan3A_776, %mul3A_778 : i32
      %add3A_780 = arith.constant 48 : i32
      %add3A_781 = arith.addi %mul3A_779, %add3A_780 : i32
      %get3A = arith.index_cast %add3A_781 : i32 to index
      %get3A_782 = tpu.vector_load %arg9[%get3A] {strides = array<i32>} : memref<25600xf32, #tpu.memory_space<vmem>>, vector<16xf32>,
      %get3A_783 = vector.shape_cast %get3A_782 : vector<16xf32> to vector<16xf32>
      %add3A_784 = arith.addf %scan3A_777, %get3A_783 : vector<16xf32>
      scf.yield %add3A_784 : vector<16xf32>
    }
    %scan3A_433 = arith.constant 50 : i32
    %swap3A_434 = arith.constant 48 : index
    %swap3A_435 = tpu.vector_load %arg10[%swap3A_434] {strides = array<i32>} : memref<512xf32, #tpu.memory_space<vmem>>, vector<16xf32>,
    %swap3A_436 = vector.shape_cast %swap3A_435 : vector<16xf32> to vector<16xf32>
    %swap3A_437 = vector.shape_cast %scan3A_432 : vector<16xf32> to vector<16xf32>
    tpu.vector_store %arg10[%swap3A_434], %swap3A_437 {strides = array<i32>} : memref<512xf32, #tpu.memory_space<vmem>>, vector<16xf32>,
    %broadcast_in_dim3A_438 = arith.constant 0.000000e+00 : f32
    %broadcast_in_dim3A_439 = vector.broadcast %broadcast_in_dim3A_438 : f32 to vector<16xf32>
    %scan3A_440 = arith.constant 0 : i32
    %scan3A_441 = arith.constant 50 : i32
    %scan3A_442 = arith.addi %scan3A_440, %scan3A_441 : i32
    %scan3A_443 = arith.constant 1 : i32
    %scan3A_444 = scf.for %scan3A_776 = %scan3A_440 to %scan3A_442 step %scan3A_443 iter_args(%scan3A_777 = %broadcast_in_dim3A_439) -> (vector<16xf32>)  : i32 {
      %mul3A_778 = arith.constant 512 : i32
      %mul3A_779 = arith.muli %scan3A_776, %mul3A_778 : i32
      %add3A_780 = arith.constant 64 : i32
      %add3A_781 = arith.addi %mul3A_779, %add3A_780 : i32
      %get3A = arith.index_cast %add3A_781 : i32 to index
      %get3A_782 = tpu.vector_load %arg9[%get3A] {strides = array<i32>} : memref<25600xf32, #tpu.memory_space<vmem>>, vector<16xf32>,
      %get3A_783 = vector.shape_cast %get3A_782 : vector<16xf32> to vector<16xf32>
      %add3A_784 = arith.addf %scan3A_777, %get3A_783 : vector<16xf32>
      scf.yield %add3A_784 : vector<16xf32>
    }
    %scan3A_445 = arith.constant 50 : i32
    %swap3A_446 = arith.constant 64 : index
    %swap3A_447 = tpu.vector_load %arg10[%swap3A_446] {strides = array<i32>} : memref<512xf32, #tpu.memory_space<vmem>>, vector<16xf32>,
    %swap3A_448 = vector.shape_cast %swap3A_447 : vector<16xf32> to vector<16xf32>
    %swap3A_449 = vector.shape_cast %scan3A_444 : vector<16xf32> to vector<16xf32>
    tpu.vector_store %arg10[%swap3A_446], %swap3A_449 {strides = array<i32>} : memref<512xf32, #tpu.memory_space<vmem>>, vector<16xf32>,
    %broadcast_in_dim3A_450 = arith.constant 0.000000e+00 : f32
    %broadcast_in_dim3A_451 = vector.broadcast %broadcast_in_dim3A_450 : f32 to vector<16xf32>
    %scan3A_452 = arith.constant 0 : i32
    %scan3A_453 = arith.constant 50 : i32
    %scan3A_454 = arith.addi %scan3A_452, %scan3A_453 : i32
    %scan3A_455 = arith.constant 1 : i32
    %scan3A_456 = scf.for %scan3A_776 = %scan3A_452 to %scan3A_454 step %scan3A_455 iter_args(%scan3A_777 = %broadcast_in_dim3A_451) -> (vector<16xf32>)  : i32 {
      %mul3A_778 = arith.constant 512 : i32
      %mul3A_779 = arith.muli %scan3A_776, %mul3A_778 : i32
      %add3A_780 = arith.constant 80 : i32
      %add3A_781 = arith.addi %mul3A_779, %add3A_780 : i32
      %get3A = arith.index_cast %add3A_781 : i32 to index
      %get3A_782 = tpu.vector_load %arg9[%get3A] {strides = array<i32>} : memref<25600xf32, #tpu.memory_space<vmem>>, vector<16xf32>,
      %get3A_783 = vector.shape_cast %get3A_782 : vector<16xf32> to vector<16xf32>
      %add3A_784 = arith.addf %scan3A_777, %get3A_783 : vector<16xf32>
      scf.yield %add3A_784 : vector<16xf32>
    }
    %scan3A_457 = arith.constant 50 : i32
    %swap3A_458 = arith.constant 80 : index
    %swap3A_459 = tpu.vector_load %arg10[%swap3A_458] {strides = array<i32>} : memref<512xf32, #tpu.memory_space<vmem>>, vector<16xf32>,
    %swap3A_460 = vector.shape_cast %swap3A_459 : vector<16xf32> to vector<16xf32>
    %swap3A_461 = vector.shape_cast %scan3A_456 : vector<16xf32> to vector<16xf32>
    tpu.vector_store %arg10[%swap3A_458], %swap3A_461 {strides = array<i32>} : memref<512xf32, #tpu.memory_space<vmem>>, vector<16xf32>,
    %broadcast_in_dim3A_462 = arith.constant 0.000000e+00 : f32
    %broadcast_in_dim3A_463 = vector.broadcast %broadcast_in_dim3A_462 : f32 to vector<16xf32>
    %scan3A_464 = arith.constant 0 : i32
    %scan3A_465 = arith.constant 50 : i32
    %scan3A_466 = arith.addi %scan3A_464, %scan3A_465 : i32
    %scan3A_467 = arith.constant 1 : i32
    %scan3A_468 = scf.for %scan3A_776 = %scan3A_464 to %scan3A_466 step %scan3A_467 iter_args(%scan3A_777 = %broadcast_in_dim3A_463) -> (vector<16xf32>)  : i32 {
      %mul3A_778 = arith.constant 512 : i32
      %mul3A_779 = arith.muli %scan3A_776, %mul3A_778 : i32
      %add3A_780 = arith.constant 96 : i32
      %add3A_781 = arith.addi %mul3A_779, %add3A_780 : i32
      %get3A = arith.index_cast %add3A_781 : i32 to index
      %get3A_782 = tpu.vector_load %arg9[%get3A] {strides = array<i32>} : memref<25600xf32, #tpu.memory_space<vmem>>, vector<16xf32>,
      %get3A_783 = vector.shape_cast %get3A_782 : vector<16xf32> to vector<16xf32>
      %add3A_784 = arith.addf %scan3A_777, %get3A_783 : vector<16xf32>
      scf.yield %add3A_784 : vector<16xf32>
    }
    %scan3A_469 = arith.constant 50 : i32
    %swap3A_470 = arith.constant 96 : index
    %swap3A_471 = tpu.vector_load %arg10[%swap3A_470] {strides = array<i32>} : memref<512xf32, #tpu.memory_space<vmem>>, vector<16xf32>,
    %swap3A_472 = vector.shape_cast %swap3A_471 : vector<16xf32> to vector<16xf32>
    %swap3A_473 = vector.shape_cast %scan3A_468 : vector<16xf32> to vector<16xf32>
    tpu.vector_store %arg10[%swap3A_470], %swap3A_473 {strides = array<i32>} : memref<512xf32, #tpu.memory_space<vmem>>, vector<16xf32>,
    %broadcast_in_dim3A_474 = arith.constant 0.000000e+00 : f32
    %broadcast_in_dim3A_475 = vector.broadcast %broadcast_in_dim3A_474 : f32 to vector<16xf32>
    %scan3A_476 = arith.constant 0 : i32
    %scan3A_477 = arith.constant 50 : i32
    %scan3A_478 = arith.addi %scan3A_476, %scan3A_477 : i32
    %scan3A_479 = arith.constant 1 : i32
    %scan3A_480 = scf.for %scan3A_776 = %scan3A_476 to %scan3A_478 step %scan3A_479 iter_args(%scan3A_777 = %broadcast_in_dim3A_475) -> (vector<16xf32>)  : i32 {
      %mul3A_778 = arith.constant 512 : i32
      %mul3A_779 = arith.muli %scan3A_776, %mul3A_778 : i32
      %add3A_780 = arith.constant 112 : i32
      %add3A_781 = arith.addi %mul3A_779, %add3A_780 : i32
      %get3A = arith.index_cast %add3A_781 : i32 to index
      %get3A_782 = tpu.vector_load %arg9[%get3A] {strides = array<i32>} : memref<25600xf32, #tpu.memory_space<vmem>>, vector<16xf32>,
      %get3A_783 = vector.shape_cast %get3A_782 : vector<16xf32> to vector<16xf32>
      %add3A_784 = arith.addf %scan3A_777, %get3A_783 : vector<16xf32>
      scf.yield %add3A_784 : vector<16xf32>
    }
    %scan3A_481 = arith.constant 50 : i32
    %swap3A_482 = arith.constant 112 : index
    %swap3A_483 = tpu.vector_load %arg10[%swap3A_482] {strides = array<i32>} : memref<512xf32, #tpu.memory_space<vmem>>, vector<16xf32>,
    %swap3A_484 = vector.shape_cast %swap3A_483 : vector<16xf32> to vector<16xf32>
    %swap3A_485 = vector.shape_cast %scan3A_480 : vector<16xf32> to vector<16xf32>
    tpu.vector_store %arg10[%swap3A_482], %swap3A_485 {strides = array<i32>} : memref<512xf32, #tpu.memory_space<vmem>>, vector<16xf32>,
    %broadcast_in_dim3A_486 = arith.constant 0.000000e+00 : f32
    %broadcast_in_dim3A_487 = vector.broadcast %broadcast_in_dim3A_486 : f32 to vector<16xf32>
    %scan3A_488 = arith.constant 0 : i32
    %scan3A_489 = arith.constant 50 : i32
    %scan3A_490 = arith.addi %scan3A_488, %scan3A_489 : i32
    %scan3A_491 = arith.constant 1 : i32
    %scan3A_492 = scf.for %scan3A_776 = %scan3A_488 to %scan3A_490 step %scan3A_491 iter_args(%scan3A_777 = %broadcast_in_dim3A_487) -> (vector<16xf32>)  : i32 {
      %mul3A_778 = arith.constant 512 : i32
      %mul3A_779 = arith.muli %scan3A_776, %mul3A_778 : i32
      %add3A_780 = arith.constant 128 : i32
      %add3A_781 = arith.addi %mul3A_779, %add3A_780 : i32
      %get3A = arith.index_cast %add3A_781 : i32 to index
      %get3A_782 = tpu.vector_load %arg9[%get3A] {strides = array<i32>} : memref<25600xf32, #tpu.memory_space<vmem>>, vector<16xf32>,
      %get3A_783 = vector.shape_cast %get3A_782 : vector<16xf32> to vector<16xf32>
      %add3A_784 = arith.addf %scan3A_777, %get3A_783 : vector<16xf32>
      scf.yield %add3A_784 : vector<16xf32>
    }
    %scan3A_493 = arith.constant 50 : i32
    %swap3A_494 = arith.constant 128 : index
    %swap3A_495 = tpu.vector_load %arg10[%swap3A_494] {strides = array<i32>} : memref<512xf32, #tpu.memory_space<vmem>>, vector<16xf32>,
    %swap3A_496 = vector.shape_cast %swap3A_495 : vector<16xf32> to vector<16xf32>
    %swap3A_497 = vector.shape_cast %scan3A_492 : vector<16xf32> to vector<16xf32>
    tpu.vector_store %arg10[%swap3A_494], %swap3A_497 {strides = array<i32>} : memref<512xf32, #tpu.memory_space<vmem>>, vector<16xf32>,
    %broadcast_in_dim3A_498 = arith.constant 0.000000e+00 : f32
    %broadcast_in_dim3A_499 = vector.broadcast %broadcast_in_dim3A_498 : f32 to vector<16xf32>
    %scan3A_500 = arith.constant 0 : i32
    %scan3A_501 = arith.constant 50 : i32
    %scan3A_502 = arith.addi %scan3A_500, %scan3A_501 : i32
    %scan3A_503 = arith.constant 1 : i32
    %scan3A_504 = scf.for %scan3A_776 = %scan3A_500 to %scan3A_502 step %scan3A_503 iter_args(%scan3A_777 = %broadcast_in_dim3A_499) -> (vector<16xf32>)  : i32 {
      %mul3A_778 = arith.constant 512 : i32
      %mul3A_779 = arith.muli %scan3A_776, %mul3A_778 : i32
      %add3A_780 = arith.constant 144 : i32
      %add3A_781 = arith.addi %mul3A_779, %add3A_780 : i32
      %get3A = arith.index_cast %add3A_781 : i32 to index
      %get3A_782 = tpu.vector_load %arg9[%get3A] {strides = array<i32>} : memref<25600xf32, #tpu.memory_space<vmem>>, vector<16xf32>,
      %get3A_783 = vector.shape_cast %get3A_782 : vector<16xf32> to vector<16xf32>
      %add3A_784 = arith.addf %scan3A_777, %get3A_783 : vector<16xf32>
      scf.yield %add3A_784 : vector<16xf32>
    }
    %scan3A_505 = arith.constant 50 : i32
    %swap3A_506 = arith.constant 144 : index
    %swap3A_507 = tpu.vector_load %arg10[%swap3A_506] {strides = array<i32>} : memref<512xf32, #tpu.memory_space<vmem>>, vector<16xf32>,
    %swap3A_508 = vector.shape_cast %swap3A_507 : vector<16xf32> to vector<16xf32>
    %swap3A_509 = vector.shape_cast %scan3A_504 : vector<16xf32> to vector<16xf32>
    tpu.vector_store %arg10[%swap3A_506], %swap3A_509 {strides = array<i32>} : memref<512xf32, #tpu.memory_space<vmem>>, vector<16xf32>,
    %broadcast_in_dim3A_510 = arith.constant 0.000000e+00 : f32
    %broadcast_in_dim3A_511 = vector.broadcast %broadcast_in_dim3A_510 : f32 to vector<16xf32>
    %scan3A_512 = arith.constant 0 : i32
    %scan3A_513 = arith.constant 50 : i32
    %scan3A_514 = arith.addi %scan3A_512, %scan3A_513 : i32
    %scan3A_515 = arith.constant 1 : i32
    %scan3A_516 = scf.for %scan3A_776 = %scan3A_512 to %scan3A_514 step %scan3A_515 iter_args(%scan3A_777 = %broadcast_in_dim3A_511) -> (vector<16xf32>)  : i32 {
      %mul3A_778 = arith.constant 512 : i32
      %mul3A_779 = arith.muli %scan3A_776, %mul3A_778 : i32
      %add3A_780 = arith.constant 160 : i32
      %add3A_781 = arith.addi %mul3A_779, %add3A_780 : i32
      %get3A = arith.index_cast %add3A_781 : i32 to index
      %get3A_782 = tpu.vector_load %arg9[%get3A] {strides = array<i32>} : memref<25600xf32, #tpu.memory_space<vmem>>, vector<16xf32>,
      %get3A_783 = vector.shape_cast %get3A_782 : vector<16xf32> to vector<16xf32>
      %add3A_784 = arith.addf %scan3A_777, %get3A_783 : vector<16xf32>
      scf.yield %add3A_784 : vector<16xf32>
    }
    %scan3A_517 = arith.constant 50 : i32
    %swap3A_518 = arith.constant 160 : index
    %swap3A_519 = tpu.vector_load %arg10[%swap3A_518] {strides = array<i32>} : memref<512xf32, #tpu.memory_space<vmem>>, vector<16xf32>,
    %swap3A_520 = vector.shape_cast %swap3A_519 : vector<16xf32> to vector<16xf32>
    %swap3A_521 = vector.shape_cast %scan3A_516 : vector<16xf32> to vector<16xf32>
    tpu.vector_store %arg10[%swap3A_518], %swap3A_521 {strides = array<i32>} : memref<512xf32, #tpu.memory_space<vmem>>, vector<16xf32>,
    %broadcast_in_dim3A_522 = arith.constant 0.000000e+00 : f32
    %broadcast_in_dim3A_523 = vector.broadcast %broadcast_in_dim3A_522 : f32 to vector<16xf32>
    %scan3A_524 = arith.constant 0 : i32
    %scan3A_525 = arith.constant 50 : i32
    %scan3A_526 = arith.addi %scan3A_524, %scan3A_525 : i32
    %scan3A_527 = arith.constant 1 : i32
    %scan3A_528 = scf.for %scan3A_776 = %scan3A_524 to %scan3A_526 step %scan3A_527 iter_args(%scan3A_777 = %broadcast_in_dim3A_523) -> (vector<16xf32>)  : i32 {
      %mul3A_778 = arith.constant 512 : i32
      %mul3A_779 = arith.muli %scan3A_776, %mul3A_778 : i32
      %add3A_780 = arith.constant 176 : i32
      %add3A_781 = arith.addi %mul3A_779, %add3A_780 : i32
      %get3A = arith.index_cast %add3A_781 : i32 to index
      %get3A_782 = tpu.vector_load %arg9[%get3A] {strides = array<i32>} : memref<25600xf32, #tpu.memory_space<vmem>>, vector<16xf32>,
      %get3A_783 = vector.shape_cast %get3A_782 : vector<16xf32> to vector<16xf32>
      %add3A_784 = arith.addf %scan3A_777, %get3A_783 : vector<16xf32>
      scf.yield %add3A_784 : vector<16xf32>
    }
    %scan3A_529 = arith.constant 50 : i32
    %swap3A_530 = arith.constant 176 : index
    %swap3A_531 = tpu.vector_load %arg10[%swap3A_530] {strides = array<i32>} : memref<512xf32, #tpu.memory_space<vmem>>, vector<16xf32>,
    %swap3A_532 = vector.shape_cast %swap3A_531 : vector<16xf32> to vector<16xf32>
    %swap3A_533 = vector.shape_cast %scan3A_528 : vector<16xf32> to vector<16xf32>
    tpu.vector_store %arg10[%swap3A_530], %swap3A_533 {strides = array<i32>} : memref<512xf32, #tpu.memory_space<vmem>>, vector<16xf32>,
    %broadcast_in_dim3A_534 = arith.constant 0.000000e+00 : f32
    %broadcast_in_dim3A_535 = vector.broadcast %broadcast_in_dim3A_534 : f32 to vector<16xf32>
    %scan3A_536 = arith.constant 0 : i32
    %scan3A_537 = arith.constant 50 : i32
    %scan3A_538 = arith.addi %scan3A_536, %scan3A_537 : i32
    %scan3A_539 = arith.constant 1 : i32
    %scan3A_540 = scf.for %scan3A_776 = %scan3A_536 to %scan3A_538 step %scan3A_539 iter_args(%scan3A_777 = %broadcast_in_dim3A_535) -> (vector<16xf32>)  : i32 {
      %mul3A_778 = arith.constant 512 : i32
      %mul3A_779 = arith.muli %scan3A_776, %mul3A_778 : i32
      %add3A_780 = arith.constant 192 : i32
      %add3A_781 = arith.addi %mul3A_779, %add3A_780 : i32
      %get3A = arith.index_cast %add3A_781 : i32 to index
      %get3A_782 = tpu.vector_load %arg9[%get3A] {strides = array<i32>} : memref<25600xf32, #tpu.memory_space<vmem>>, vector<16xf32>,
      %get3A_783 = vector.shape_cast %get3A_782 : vector<16xf32> to vector<16xf32>
      %add3A_784 = arith.addf %scan3A_777, %get3A_783 : vector<16xf32>
      scf.yield %add3A_784 : vector<16xf32>
    }
    %scan3A_541 = arith.constant 50 : i32
    %swap3A_542 = arith.constant 192 : index
    %swap3A_543 = tpu.vector_load %arg10[%swap3A_542] {strides = array<i32>} : memref<512xf32, #tpu.memory_space<vmem>>, vector<16xf32>,
    %swap3A_544 = vector.shape_cast %swap3A_543 : vector<16xf32> to vector<16xf32>
    %swap3A_545 = vector.shape_cast %scan3A_540 : vector<16xf32> to vector<16xf32>
    tpu.vector_store %arg10[%swap3A_542], %swap3A_545 {strides = array<i32>} : memref<512xf32, #tpu.memory_space<vmem>>, vector<16xf32>,
    %broadcast_in_dim3A_546 = arith.constant 0.000000e+00 : f32
    %broadcast_in_dim3A_547 = vector.broadcast %broadcast_in_dim3A_546 : f32 to vector<16xf32>
    %scan3A_548 = arith.constant 0 : i32
    %scan3A_549 = arith.constant 50 : i32
    %scan3A_550 = arith.addi %scan3A_548, %scan3A_549 : i32
    %scan3A_551 = arith.constant 1 : i32
    %scan3A_552 = scf.for %scan3A_776 = %scan3A_548 to %scan3A_550 step %scan3A_551 iter_args(%scan3A_777 = %broadcast_in_dim3A_547) -> (vector<16xf32>)  : i32 {
      %mul3A_778 = arith.constant 512 : i32
      %mul3A_779 = arith.muli %scan3A_776, %mul3A_778 : i32
      %add3A_780 = arith.constant 208 : i32
      %add3A_781 = arith.addi %mul3A_779, %add3A_780 : i32
      %get3A = arith.index_cast %add3A_781 : i32 to index
      %get3A_782 = tpu.vector_load %arg9[%get3A] {strides = array<i32>} : memref<25600xf32, #tpu.memory_space<vmem>>, vector<16xf32>,
      %get3A_783 = vector.shape_cast %get3A_782 : vector<16xf32> to vector<16xf32>
      %add3A_784 = arith.addf %scan3A_777, %get3A_783 : vector<16xf32>
      scf.yield %add3A_784 : vector<16xf32>
    }
    %scan3A_553 = arith.constant 50 : i32
    %swap3A_554 = arith.constant 208 : index
    %swap3A_555 = tpu.vector_load %arg10[%swap3A_554] {strides = array<i32>} : memref<512xf32, #tpu.memory_space<vmem>>, vector<16xf32>,
    %swap3A_556 = vector.shape_cast %swap3A_555 : vector<16xf32> to vector<16xf32>
    %swap3A_557 = vector.shape_cast %scan3A_552 : vector<16xf32> to vector<16xf32>
    tpu.vector_store %arg10[%swap3A_554], %swap3A_557 {strides = array<i32>} : memref<512xf32, #tpu.memory_space<vmem>>, vector<16xf32>,
    %broadcast_in_dim3A_558 = arith.constant 0.000000e+00 : f32
    %broadcast_in_dim3A_559 = vector.broadcast %broadcast_in_dim3A_558 : f32 to vector<16xf32>
    %scan3A_560 = arith.constant 0 : i32
    %scan3A_561 = arith.constant 50 : i32
    %scan3A_562 = arith.addi %scan3A_560, %scan3A_561 : i32
    %scan3A_563 = arith.constant 1 : i32
    %scan3A_564 = scf.for %scan3A_776 = %scan3A_560 to %scan3A_562 step %scan3A_563 iter_args(%scan3A_777 = %broadcast_in_dim3A_559) -> (vector<16xf32>)  : i32 {
      %mul3A_778 = arith.constant 512 : i32
      %mul3A_779 = arith.muli %scan3A_776, %mul3A_778 : i32
      %add3A_780 = arith.constant 224 : i32
      %add3A_781 = arith.addi %mul3A_779, %add3A_780 : i32
      %get3A = arith.index_cast %add3A_781 : i32 to index
      %get3A_782 = tpu.vector_load %arg9[%get3A] {strides = array<i32>} : memref<25600xf32, #tpu.memory_space<vmem>>, vector<16xf32>,
      %get3A_783 = vector.shape_cast %get3A_782 : vector<16xf32> to vector<16xf32>
      %add3A_784 = arith.addf %scan3A_777, %get3A_783 : vector<16xf32>
      scf.yield %add3A_784 : vector<16xf32>
    }
    %scan3A_565 = arith.constant 50 : i32
    %swap3A_566 = arith.constant 224 : index
    %swap3A_567 = tpu.vector_load %arg10[%swap3A_566] {strides = array<i32>} : memref<512xf32, #tpu.memory_space<vmem>>, vector<16xf32>,
    %swap3A_568 = vector.shape_cast %swap3A_567 : vector<16xf32> to vector<16xf32>
    %swap3A_569 = vector.shape_cast %scan3A_564 : vector<16xf32> to vector<16xf32>
    tpu.vector_store %arg10[%swap3A_566], %swap3A_569 {strides = array<i32>} : memref<512xf32, #tpu.memory_space<vmem>>, vector<16xf32>,
    %broadcast_in_dim3A_570 = arith.constant 0.000000e+00 : f32
    %broadcast_in_dim3A_571 = vector.broadcast %broadcast_in_dim3A_570 : f32 to vector<16xf32>
    %scan3A_572 = arith.constant 0 : i32
    %scan3A_573 = arith.constant 50 : i32
    %scan3A_574 = arith.addi %scan3A_572, %scan3A_573 : i32
    %scan3A_575 = arith.constant 1 : i32
    %scan3A_576 = scf.for %scan3A_776 = %scan3A_572 to %scan3A_574 step %scan3A_575 iter_args(%scan3A_777 = %broadcast_in_dim3A_571) -> (vector<16xf32>)  : i32 {
      %mul3A_778 = arith.constant 512 : i32
      %mul3A_779 = arith.muli %scan3A_776, %mul3A_778 : i32
      %add3A_780 = arith.constant 240 : i32
      %add3A_781 = arith.addi %mul3A_779, %add3A_780 : i32
      %get3A = arith.index_cast %add3A_781 : i32 to index
      %get3A_782 = tpu.vector_load %arg9[%get3A] {strides = array<i32>} : memref<25600xf32, #tpu.memory_space<vmem>>, vector<16xf32>,
      %get3A_783 = vector.shape_cast %get3A_782 : vector<16xf32> to vector<16xf32>
      %add3A_784 = arith.addf %scan3A_777, %get3A_783 : vector<16xf32>
      scf.yield %add3A_784 : vector<16xf32>
    }
    %scan3A_577 = arith.constant 50 : i32
    %swap3A_578 = arith.constant 240 : index
    %swap3A_579 = tpu.vector_load %arg10[%swap3A_578] {strides = array<i32>} : memref<512xf32, #tpu.memory_space<vmem>>, vector<16xf32>,
    %swap3A_580 = vector.shape_cast %swap3A_579 : vector<16xf32> to vector<16xf32>
    %swap3A_581 = vector.shape_cast %scan3A_576 : vector<16xf32> to vector<16xf32>
    tpu.vector_store %arg10[%swap3A_578], %swap3A_581 {strides = array<i32>} : memref<512xf32, #tpu.memory_space<vmem>>, vector<16xf32>,
    %broadcast_in_dim3A_582 = arith.constant 0.000000e+00 : f32
    %broadcast_in_dim3A_583 = vector.broadcast %broadcast_in_dim3A_582 : f32 to vector<16xf32>
    %scan3A_584 = arith.constant 0 : i32
    %scan3A_585 = arith.constant 50 : i32
    %scan3A_586 = arith.addi %scan3A_584, %scan3A_585 : i32
    %scan3A_587 = arith.constant 1 : i32
    %scan3A_588 = scf.for %scan3A_776 = %scan3A_584 to %scan3A_586 step %scan3A_587 iter_args(%scan3A_777 = %broadcast_in_dim3A_583) -> (vector<16xf32>)  : i32 {
      %mul3A_778 = arith.constant 512 : i32
      %mul3A_779 = arith.muli %scan3A_776, %mul3A_778 : i32
      %add3A_780 = arith.constant 256 : i32
      %add3A_781 = arith.addi %mul3A_779, %add3A_780 : i32
      %get3A = arith.index_cast %add3A_781 : i32 to index
      %get3A_782 = tpu.vector_load %arg9[%get3A] {strides = array<i32>} : memref<25600xf32, #tpu.memory_space<vmem>>, vector<16xf32>,
      %get3A_783 = vector.shape_cast %get3A_782 : vector<16xf32> to vector<16xf32>
      %add3A_784 = arith.addf %scan3A_777, %get3A_783 : vector<16xf32>
      scf.yield %add3A_784 : vector<16xf32>
    }
    %scan3A_589 = arith.constant 50 : i32
    %swap3A_590 = arith.constant 256 : index
    %swap3A_591 = tpu.vector_load %arg10[%swap3A_590] {strides = array<i32>} : memref<512xf32, #tpu.memory_space<vmem>>, vector<16xf32>,
    %swap3A_592 = vector.shape_cast %swap3A_591 : vector<16xf32> to vector<16xf32>
    %swap3A_593 = vector.shape_cast %scan3A_588 : vector<16xf32> to vector<16xf32>
    tpu.vector_store %arg10[%swap3A_590], %swap3A_593 {strides = array<i32>} : memref<512xf32, #tpu.memory_space<vmem>>, vector<16xf32>,
    %broadcast_in_dim3A_594 = arith.constant 0.000000e+00 : f32
    %broadcast_in_dim3A_595 = vector.broadcast %broadcast_in_dim3A_594 : f32 to vector<16xf32>
    %scan3A_596 = arith.constant 0 : i32
    %scan3A_597 = arith.constant 50 : i32
    %scan3A_598 = arith.addi %scan3A_596, %scan3A_597 : i32
    %scan3A_599 = arith.constant 1 : i32
    %scan3A_600 = scf.for %scan3A_776 = %scan3A_596 to %scan3A_598 step %scan3A_599 iter_args(%scan3A_777 = %broadcast_in_dim3A_595) -> (vector<16xf32>)  : i32 {
      %mul3A_778 = arith.constant 512 : i32
      %mul3A_779 = arith.muli %scan3A_776, %mul3A_778 : i32
      %add3A_780 = arith.constant 272 : i32
      %add3A_781 = arith.addi %mul3A_779, %add3A_780 : i32
      %get3A = arith.index_cast %add3A_781 : i32 to index
      %get3A_782 = tpu.vector_load %arg9[%get3A] {strides = array<i32>} : memref<25600xf32, #tpu.memory_space<vmem>>, vector<16xf32>,
      %get3A_783 = vector.shape_cast %get3A_782 : vector<16xf32> to vector<16xf32>
      %add3A_784 = arith.addf %scan3A_777, %get3A_783 : vector<16xf32>
      scf.yield %add3A_784 : vector<16xf32>
    }
    %scan3A_601 = arith.constant 50 : i32
    %swap3A_602 = arith.constant 272 : index
    %swap3A_603 = tpu.vector_load %arg10[%swap3A_602] {strides = array<i32>} : memref<512xf32, #tpu.memory_space<vmem>>, vector<16xf32>,
    %swap3A_604 = vector.shape_cast %swap3A_603 : vector<16xf32> to vector<16xf32>
    %swap3A_605 = vector.shape_cast %scan3A_600 : vector<16xf32> to vector<16xf32>
    tpu.vector_store %arg10[%swap3A_602], %swap3A_605 {strides = array<i32>} : memref<512xf32, #tpu.memory_space<vmem>>, vector<16xf32>,
    %broadcast_in_dim3A_606 = arith.constant 0.000000e+00 : f32
    %broadcast_in_dim3A_607 = vector.broadcast %broadcast_in_dim3A_606 : f32 to vector<16xf32>
    %scan3A_608 = arith.constant 0 : i32
    %scan3A_609 = arith.constant 50 : i32
    %scan3A_610 = arith.addi %scan3A_608, %scan3A_609 : i32
    %scan3A_611 = arith.constant 1 : i32
    %scan3A_612 = scf.for %scan3A_776 = %scan3A_608 to %scan3A_610 step %scan3A_611 iter_args(%scan3A_777 = %broadcast_in_dim3A_607) -> (vector<16xf32>)  : i32 {
      %mul3A_778 = arith.constant 512 : i32
      %mul3A_779 = arith.muli %scan3A_776, %mul3A_778 : i32
      %add3A_780 = arith.constant 288 : i32
      %add3A_781 = arith.addi %mul3A_779, %add3A_780 : i32
      %get3A = arith.index_cast %add3A_781 : i32 to index
      %get3A_782 = tpu.vector_load %arg9[%get3A] {strides = array<i32>} : memref<25600xf32, #tpu.memory_space<vmem>>, vector<16xf32>,
      %get3A_783 = vector.shape_cast %get3A_782 : vector<16xf32> to vector<16xf32>
      %add3A_784 = arith.addf %scan3A_777, %get3A_783 : vector<16xf32>
      scf.yield %add3A_784 : vector<16xf32>
    }
    %scan3A_613 = arith.constant 50 : i32
    %swap3A_614 = arith.constant 288 : index
    %swap3A_615 = tpu.vector_load %arg10[%swap3A_614] {strides = array<i32>} : memref<512xf32, #tpu.memory_space<vmem>>, vector<16xf32>,
    %swap3A_616 = vector.shape_cast %swap3A_615 : vector<16xf32> to vector<16xf32>
    %swap3A_617 = vector.shape_cast %scan3A_612 : vector<16xf32> to vector<16xf32>
    tpu.vector_store %arg10[%swap3A_614], %swap3A_617 {strides = array<i32>} : memref<512xf32, #tpu.memory_space<vmem>>, vector<16xf32>,
    %broadcast_in_dim3A_618 = arith.constant 0.000000e+00 : f32
    %broadcast_in_dim3A_619 = vector.broadcast %broadcast_in_dim3A_618 : f32 to vector<16xf32>
    %scan3A_620 = arith.constant 0 : i32
    %scan3A_621 = arith.constant 50 : i32
    %scan3A_622 = arith.addi %scan3A_620, %scan3A_621 : i32
    %scan3A_623 = arith.constant 1 : i32
    %scan3A_624 = scf.for %scan3A_776 = %scan3A_620 to %scan3A_622 step %scan3A_623 iter_args(%scan3A_777 = %broadcast_in_dim3A_619) -> (vector<16xf32>)  : i32 {
      %mul3A_778 = arith.constant 512 : i32
      %mul3A_779 = arith.muli %scan3A_776, %mul3A_778 : i32
      %add3A_780 = arith.constant 304 : i32
      %add3A_781 = arith.addi %mul3A_779, %add3A_780 : i32
      %get3A = arith.index_cast %add3A_781 : i32 to index
      %get3A_782 = tpu.vector_load %arg9[%get3A] {strides = array<i32>} : memref<25600xf32, #tpu.memory_space<vmem>>, vector<16xf32>,
      %get3A_783 = vector.shape_cast %get3A_782 : vector<16xf32> to vector<16xf32>
      %add3A_784 = arith.addf %scan3A_777, %get3A_783 : vector<16xf32>
      scf.yield %add3A_784 : vector<16xf32>
    }
    %scan3A_625 = arith.constant 50 : i32
    %swap3A_626 = arith.constant 304 : index
    %swap3A_627 = tpu.vector_load %arg10[%swap3A_626] {strides = array<i32>} : memref<512xf32, #tpu.memory_space<vmem>>, vector<16xf32>,
    %swap3A_628 = vector.shape_cast %swap3A_627 : vector<16xf32> to vector<16xf32>
    %swap3A_629 = vector.shape_cast %scan3A_624 : vector<16xf32> to vector<16xf32>
    tpu.vector_store %arg10[%swap3A_626], %swap3A_629 {strides = array<i32>} : memref<512xf32, #tpu.memory_space<vmem>>, vector<16xf32>,
    %broadcast_in_dim3A_630 = arith.constant 0.000000e+00 : f32
    %broadcast_in_dim3A_631 = vector.broadcast %broadcast_in_dim3A_630 : f32 to vector<16xf32>
    %scan3A_632 = arith.constant 0 : i32
    %scan3A_633 = arith.constant 50 : i32
    %scan3A_634 = arith.addi %scan3A_632, %scan3A_633 : i32
    %scan3A_635 = arith.constant 1 : i32
    %scan3A_636 = scf.for %scan3A_776 = %scan3A_632 to %scan3A_634 step %scan3A_635 iter_args(%scan3A_777 = %broadcast_in_dim3A_631) -> (vector<16xf32>)  : i32 {
      %mul3A_778 = arith.constant 512 : i32
      %mul3A_779 = arith.muli %scan3A_776, %mul3A_778 : i32
      %add3A_780 = arith.constant 320 : i32
      %add3A_781 = arith.addi %mul3A_779, %add3A_780 : i32
      %get3A = arith.index_cast %add3A_781 : i32 to index
      %get3A_782 = tpu.vector_load %arg9[%get3A] {strides = array<i32>} : memref<25600xf32, #tpu.memory_space<vmem>>, vector<16xf32>,
      %get3A_783 = vector.shape_cast %get3A_782 : vector<16xf32> to vector<16xf32>
      %add3A_784 = arith.addf %scan3A_777, %get3A_783 : vector<16xf32>
      scf.yield %add3A_784 : vector<16xf32>
    }
    %scan3A_637 = arith.constant 50 : i32
    %swap3A_638 = arith.constant 320 : index
    %swap3A_639 = tpu.vector_load %arg10[%swap3A_638] {strides = array<i32>} : memref<512xf32, #tpu.memory_space<vmem>>, vector<16xf32>,
    %swap3A_640 = vector.shape_cast %swap3A_639 : vector<16xf32> to vector<16xf32>
    %swap3A_641 = vector.shape_cast %scan3A_636 : vector<16xf32> to vector<16xf32>
    tpu.vector_store %arg10[%swap3A_638], %swap3A_641 {strides = array<i32>} : memref<512xf32, #tpu.memory_space<vmem>>, vector<16xf32>,
    %broadcast_in_dim3A_642 = arith.constant 0.000000e+00 : f32
    %broadcast_in_dim3A_643 = vector.broadcast %broadcast_in_dim3A_642 : f32 to vector<16xf32>
    %scan3A_644 = arith.constant 0 : i32
    %scan3A_645 = arith.constant 50 : i32
    %scan3A_646 = arith.addi %scan3A_644, %scan3A_645 : i32
    %scan3A_647 = arith.constant 1 : i32
    %scan3A_648 = scf.for %scan3A_776 = %scan3A_644 to %scan3A_646 step %scan3A_647 iter_args(%scan3A_777 = %broadcast_in_dim3A_643) -> (vector<16xf32>)  : i32 {
      %mul3A_778 = arith.constant 512 : i32
      %mul3A_779 = arith.muli %scan3A_776, %mul3A_778 : i32
      %add3A_780 = arith.constant 336 : i32
      %add3A_781 = arith.addi %mul3A_779, %add3A_780 : i32
      %get3A = arith.index_cast %add3A_781 : i32 to index
      %get3A_782 = tpu.vector_load %arg9[%get3A] {strides = array<i32>} : memref<25600xf32, #tpu.memory_space<vmem>>, vector<16xf32>,
      %get3A_783 = vector.shape_cast %get3A_782 : vector<16xf32> to vector<16xf32>
      %add3A_784 = arith.addf %scan3A_777, %get3A_783 : vector<16xf32>
      scf.yield %add3A_784 : vector<16xf32>
    }
    %scan3A_649 = arith.constant 50 : i32
    %swap3A_650 = arith.constant 336 : index
    %swap3A_651 = tpu.vector_load %arg10[%swap3A_650] {strides = array<i32>} : memref<512xf32, #tpu.memory_space<vmem>>, vector<16xf32>,
    %swap3A_652 = vector.shape_cast %swap3A_651 : vector<16xf32> to vector<16xf32>
    %swap3A_653 = vector.shape_cast %scan3A_648 : vector<16xf32> to vector<16xf32>
    tpu.vector_store %arg10[%swap3A_650], %swap3A_653 {strides = array<i32>} : memref<512xf32, #tpu.memory_space<vmem>>, vector<16xf32>,
    %broadcast_in_dim3A_654 = arith.constant 0.000000e+00 : f32
    %broadcast_in_dim3A_655 = vector.broadcast %broadcast_in_dim3A_654 : f32 to vector<16xf32>
    %scan3A_656 = arith.constant 0 : i32
    %scan3A_657 = arith.constant 50 : i32
    %scan3A_658 = arith.addi %scan3A_656, %scan3A_657 : i32
    %scan3A_659 = arith.constant 1 : i32
    %scan3A_660 = scf.for %scan3A_776 = %scan3A_656 to %scan3A_658 step %scan3A_659 iter_args(%scan3A_777 = %broadcast_in_dim3A_655) -> (vector<16xf32>)  : i32 {
      %mul3A_778 = arith.constant 512 : i32
      %mul3A_779 = arith.muli %scan3A_776, %mul3A_778 : i32
      %add3A_780 = arith.constant 352 : i32
      %add3A_781 = arith.addi %mul3A_779, %add3A_780 : i32
      %get3A = arith.index_cast %add3A_781 : i32 to index
      %get3A_782 = tpu.vector_load %arg9[%get3A] {strides = array<i32>} : memref<25600xf32, #tpu.memory_space<vmem>>, vector<16xf32>,
      %get3A_783 = vector.shape_cast %get3A_782 : vector<16xf32> to vector<16xf32>
      %add3A_784 = arith.addf %scan3A_777, %get3A_783 : vector<16xf32>
      scf.yield %add3A_784 : vector<16xf32>
    }
    %scan3A_661 = arith.constant 50 : i32
    %swap3A_662 = arith.constant 352 : index
    %swap3A_663 = tpu.vector_load %arg10[%swap3A_662] {strides = array<i32>} : memref<512xf32, #tpu.memory_space<vmem>>, vector<16xf32>,
    %swap3A_664 = vector.shape_cast %swap3A_663 : vector<16xf32> to vector<16xf32>
    %swap3A_665 = vector.shape_cast %scan3A_660 : vector<16xf32> to vector<16xf32>
    tpu.vector_store %arg10[%swap3A_662], %swap3A_665 {strides = array<i32>} : memref<512xf32, #tpu.memory_space<vmem>>, vector<16xf32>,
    %broadcast_in_dim3A_666 = arith.constant 0.000000e+00 : f32
    %broadcast_in_dim3A_667 = vector.broadcast %broadcast_in_dim3A_666 : f32 to vector<16xf32>
    %scan3A_668 = arith.constant 0 : i32
    %scan3A_669 = arith.constant 50 : i32
    %scan3A_670 = arith.addi %scan3A_668, %scan3A_669 : i32
    %scan3A_671 = arith.constant 1 : i32
    %scan3A_672 = scf.for %scan3A_776 = %scan3A_668 to %scan3A_670 step %scan3A_671 iter_args(%scan3A_777 = %broadcast_in_dim3A_667) -> (vector<16xf32>)  : i32 {
      %mul3A_778 = arith.constant 512 : i32
      %mul3A_779 = arith.muli %scan3A_776, %mul3A_778 : i32
      %add3A_780 = arith.constant 368 : i32
      %add3A_781 = arith.addi %mul3A_779, %add3A_780 : i32
      %get3A = arith.index_cast %add3A_781 : i32 to index
      %get3A_782 = tpu.vector_load %arg9[%get3A] {strides = array<i32>} : memref<25600xf32, #tpu.memory_space<vmem>>, vector<16xf32>,
      %get3A_783 = vector.shape_cast %get3A_782 : vector<16xf32> to vector<16xf32>
      %add3A_784 = arith.addf %scan3A_777, %get3A_783 : vector<16xf32>
      scf.yield %add3A_784 : vector<16xf32>
    }
    %scan3A_673 = arith.constant 50 : i32
    %swap3A_674 = arith.constant 368 : index
    %swap3A_675 = tpu.vector_load %arg10[%swap3A_674] {strides = array<i32>} : memref<512xf32, #tpu.memory_space<vmem>>, vector<16xf32>,
    %swap3A_676 = vector.shape_cast %swap3A_675 : vector<16xf32> to vector<16xf32>
    %swap3A_677 = vector.shape_cast %scan3A_672 : vector<16xf32> to vector<16xf32>
    tpu.vector_store %arg10[%swap3A_674], %swap3A_677 {strides = array<i32>} : memref<512xf32, #tpu.memory_space<vmem>>, vector<16xf32>,
    %broadcast_in_dim3A_678 = arith.constant 0.000000e+00 : f32
    %broadcast_in_dim3A_679 = vector.broadcast %broadcast_in_dim3A_678 : f32 to vector<16xf32>
    %scan3A_680 = arith.constant 0 : i32
    %scan3A_681 = arith.constant 50 : i32
    %scan3A_682 = arith.addi %scan3A_680, %scan3A_681 : i32
    %scan3A_683 = arith.constant 1 : i32
    %scan3A_684 = scf.for %scan3A_776 = %scan3A_680 to %scan3A_682 step %scan3A_683 iter_args(%scan3A_777 = %broadcast_in_dim3A_679) -> (vector<16xf32>)  : i32 {
      %mul3A_778 = arith.constant 512 : i32
      %mul3A_779 = arith.muli %scan3A_776, %mul3A_778 : i32
      %add3A_780 = arith.constant 384 : i32
      %add3A_781 = arith.addi %mul3A_779, %add3A_780 : i32
      %get3A = arith.index_cast %add3A_781 : i32 to index
      %get3A_782 = tpu.vector_load %arg9[%get3A] {strides = array<i32>} : memref<25600xf32, #tpu.memory_space<vmem>>, vector<16xf32>,
      %get3A_783 = vector.shape_cast %get3A_782 : vector<16xf32> to vector<16xf32>
      %add3A_784 = arith.addf %scan3A_777, %get3A_783 : vector<16xf32>
      scf.yield %add3A_784 : vector<16xf32>
    }
    %scan3A_685 = arith.constant 50 : i32
    %swap3A_686 = arith.constant 384 : index
    %swap3A_687 = tpu.vector_load %arg10[%swap3A_686] {strides = array<i32>} : memref<512xf32, #tpu.memory_space<vmem>>, vector<16xf32>,
    %swap3A_688 = vector.shape_cast %swap3A_687 : vector<16xf32> to vector<16xf32>
    %swap3A_689 = vector.shape_cast %scan3A_684 : vector<16xf32> to vector<16xf32>
    tpu.vector_store %arg10[%swap3A_686], %swap3A_689 {strides = array<i32>} : memref<512xf32, #tpu.memory_space<vmem>>, vector<16xf32>,
    %broadcast_in_dim3A_690 = arith.constant 0.000000e+00 : f32
    %broadcast_in_dim3A_691 = vector.broadcast %broadcast_in_dim3A_690 : f32 to vector<16xf32>
    %scan3A_692 = arith.constant 0 : i32
    %scan3A_693 = arith.constant 50 : i32
    %scan3A_694 = arith.addi %scan3A_692, %scan3A_693 : i32
    %scan3A_695 = arith.constant 1 : i32
    %scan3A_696 = scf.for %scan3A_776 = %scan3A_692 to %scan3A_694 step %scan3A_695 iter_args(%scan3A_777 = %broadcast_in_dim3A_691) -> (vector<16xf32>)  : i32 {
      %mul3A_778 = arith.constant 512 : i32
      %mul3A_779 = arith.muli %scan3A_776, %mul3A_778 : i32
      %add3A_780 = arith.constant 400 : i32
      %add3A_781 = arith.addi %mul3A_779, %add3A_780 : i32
      %get3A = arith.index_cast %add3A_781 : i32 to index
      %get3A_782 = tpu.vector_load %arg9[%get3A] {strides = array<i32>} : memref<25600xf32, #tpu.memory_space<vmem>>, vector<16xf32>,
      %get3A_783 = vector.shape_cast %get3A_782 : vector<16xf32> to vector<16xf32>
      %add3A_784 = arith.addf %scan3A_777, %get3A_783 : vector<16xf32>
      scf.yield %add3A_784 : vector<16xf32>
    }
    %scan3A_697 = arith.constant 50 : i32
    %swap3A_698 = arith.constant 400 : index
    %swap3A_699 = tpu.vector_load %arg10[%swap3A_698] {strides = array<i32>} : memref<512xf32, #tpu.memory_space<vmem>>, vector<16xf32>,
    %swap3A_700 = vector.shape_cast %swap3A_699 : vector<16xf32> to vector<16xf32>
    %swap3A_701 = vector.shape_cast %scan3A_696 : vector<16xf32> to vector<16xf32>
    tpu.vector_store %arg10[%swap3A_698], %swap3A_701 {strides = array<i32>} : memref<512xf32, #tpu.memory_space<vmem>>, vector<16xf32>,
    %broadcast_in_dim3A_702 = arith.constant 0.000000e+00 : f32
    %broadcast_in_dim3A_703 = vector.broadcast %broadcast_in_dim3A_702 : f32 to vector<16xf32>
    %scan3A_704 = arith.constant 0 : i32
    %scan3A_705 = arith.constant 50 : i32
    %scan3A_706 = arith.addi %scan3A_704, %scan3A_705 : i32
    %scan3A_707 = arith.constant 1 : i32
    %scan3A_708 = scf.for %scan3A_776 = %scan3A_704 to %scan3A_706 step %scan3A_707 iter_args(%scan3A_777 = %broadcast_in_dim3A_703) -> (vector<16xf32>)  : i32 {
      %mul3A_778 = arith.constant 512 : i32
      %mul3A_779 = arith.muli %scan3A_776, %mul3A_778 : i32
      %add3A_780 = arith.constant 416 : i32
      %add3A_781 = arith.addi %mul3A_779, %add3A_780 : i32
      %get3A = arith.index_cast %add3A_781 : i32 to index
      %get3A_782 = tpu.vector_load %arg9[%get3A] {strides = array<i32>} : memref<25600xf32, #tpu.memory_space<vmem>>, vector<16xf32>,
      %get3A_783 = vector.shape_cast %get3A_782 : vector<16xf32> to vector<16xf32>
      %add3A_784 = arith.addf %scan3A_777, %get3A_783 : vector<16xf32>
      scf.yield %add3A_784 : vector<16xf32>
    }
    %scan3A_709 = arith.constant 50 : i32
    %swap3A_710 = arith.constant 416 : index
    %swap3A_711 = tpu.vector_load %arg10[%swap3A_710] {strides = array<i32>} : memref<512xf32, #tpu.memory_space<vmem>>, vector<16xf32>,
    %swap3A_712 = vector.shape_cast %swap3A_711 : vector<16xf32> to vector<16xf32>
    %swap3A_713 = vector.shape_cast %scan3A_708 : vector<16xf32> to vector<16xf32>
    tpu.vector_store %arg10[%swap3A_710], %swap3A_713 {strides = array<i32>} : memref<512xf32, #tpu.memory_space<vmem>>, vector<16xf32>,
    %broadcast_in_dim3A_714 = arith.constant 0.000000e+00 : f32
    %broadcast_in_dim3A_715 = vector.broadcast %broadcast_in_dim3A_714 : f32 to vector<16xf32>
    %scan3A_716 = arith.constant 0 : i32
    %scan3A_717 = arith.constant 50 : i32
    %scan3A_718 = arith.addi %scan3A_716, %scan3A_717 : i32
    %scan3A_719 = arith.constant 1 : i32
    %scan3A_720 = scf.for %scan3A_776 = %scan3A_716 to %scan3A_718 step %scan3A_719 iter_args(%scan3A_777 = %broadcast_in_dim3A_715) -> (vector<16xf32>)  : i32 {
      %mul3A_778 = arith.constant 512 : i32
      %mul3A_779 = arith.muli %scan3A_776, %mul3A_778 : i32
      %add3A_780 = arith.constant 432 : i32
      %add3A_781 = arith.addi %mul3A_779, %add3A_780 : i32
      %get3A = arith.index_cast %add3A_781 : i32 to index
      %get3A_782 = tpu.vector_load %arg9[%get3A] {strides = array<i32>} : memref<25600xf32, #tpu.memory_space<vmem>>, vector<16xf32>,
      %get3A_783 = vector.shape_cast %get3A_782 : vector<16xf32> to vector<16xf32>
      %add3A_784 = arith.addf %scan3A_777, %get3A_783 : vector<16xf32>
      scf.yield %add3A_784 : vector<16xf32>
    }
    %scan3A_721 = arith.constant 50 : i32
    %swap3A_722 = arith.constant 432 : index
    %swap3A_723 = tpu.vector_load %arg10[%swap3A_722] {strides = array<i32>} : memref<512xf32, #tpu.memory_space<vmem>>, vector<16xf32>,
    %swap3A_724 = vector.shape_cast %swap3A_723 : vector<16xf32> to vector<16xf32>
    %swap3A_725 = vector.shape_cast %scan3A_720 : vector<16xf32> to vector<16xf32>
    tpu.vector_store %arg10[%swap3A_722], %swap3A_725 {strides = array<i32>} : memref<512xf32, #tpu.memory_space<vmem>>, vector<16xf32>,
    %broadcast_in_dim3A_726 = arith.constant 0.000000e+00 : f32
    %broadcast_in_dim3A_727 = vector.broadcast %broadcast_in_dim3A_726 : f32 to vector<16xf32>
    %scan3A_728 = arith.constant 0 : i32
    %scan3A_729 = arith.constant 50 : i32
    %scan3A_730 = arith.addi %scan3A_728, %scan3A_729 : i32
    %scan3A_731 = arith.constant 1 : i32
    %scan3A_732 = scf.for %scan3A_776 = %scan3A_728 to %scan3A_730 step %scan3A_731 iter_args(%scan3A_777 = %broadcast_in_dim3A_727) -> (vector<16xf32>)  : i32 {
      %mul3A_778 = arith.constant 512 : i32
      %mul3A_779 = arith.muli %scan3A_776, %mul3A_778 : i32
      %add3A_780 = arith.constant 448 : i32
      %add3A_781 = arith.addi %mul3A_779, %add3A_780 : i32
      %get3A = arith.index_cast %add3A_781 : i32 to index
      %get3A_782 = tpu.vector_load %arg9[%get3A] {strides = array<i32>} : memref<25600xf32, #tpu.memory_space<vmem>>, vector<16xf32>,
      %get3A_783 = vector.shape_cast %get3A_782 : vector<16xf32> to vector<16xf32>
      %add3A_784 = arith.addf %scan3A_777, %get3A_783 : vector<16xf32>
      scf.yield %add3A_784 : vector<16xf32>
    }
    %scan3A_733 = arith.constant 50 : i32
    %swap3A_734 = arith.constant 448 : index
    %swap3A_735 = tpu.vector_load %arg10[%swap3A_734] {strides = array<i32>} : memref<512xf32, #tpu.memory_space<vmem>>, vector<16xf32>,
    %swap3A_736 = vector.shape_cast %swap3A_735 : vector<16xf32> to vector<16xf32>
    %swap3A_737 = vector.shape_cast %scan3A_732 : vector<16xf32> to vector<16xf32>
    tpu.vector_store %arg10[%swap3A_734], %swap3A_737 {strides = array<i32>} : memref<512xf32, #tpu.memory_space<vmem>>, vector<16xf32>,
    %broadcast_in_dim3A_738 = arith.constant 0.000000e+00 : f32
    %broadcast_in_dim3A_739 = vector.broadcast %broadcast_in_dim3A_738 : f32 to vector<16xf32>
    %scan3A_740 = arith.constant 0 : i32
    %scan3A_741 = arith.constant 50 : i32
    %scan3A_742 = arith.addi %scan3A_740, %scan3A_741 : i32
    %scan3A_743 = arith.constant 1 : i32
    %scan3A_744 = scf.for %scan3A_776 = %scan3A_740 to %scan3A_742 step %scan3A_743 iter_args(%scan3A_777 = %broadcast_in_dim3A_739) -> (vector<16xf32>)  : i32 {
      %mul3A_778 = arith.constant 512 : i32
      %mul3A_779 = arith.muli %scan3A_776, %mul3A_778 : i32
      %add3A_780 = arith.constant 464 : i32
      %add3A_781 = arith.addi %mul3A_779, %add3A_780 : i32
      %get3A = arith.index_cast %add3A_781 : i32 to index
      %get3A_782 = tpu.vector_load %arg9[%get3A] {strides = array<i32>} : memref<25600xf32, #tpu.memory_space<vmem>>, vector<16xf32>,
      %get3A_783 = vector.shape_cast %get3A_782 : vector<16xf32> to vector<16xf32>
      %add3A_784 = arith.addf %scan3A_777, %get3A_783 : vector<16xf32>
      scf.yield %add3A_784 : vector<16xf32>
    }
    %scan3A_745 = arith.constant 50 : i32
    %swap3A_746 = arith.constant 464 : index
    %swap3A_747 = tpu.vector_load %arg10[%swap3A_746] {strides = array<i32>} : memref<512xf32, #tpu.memory_space<vmem>>, vector<16xf32>,
    %swap3A_748 = vector.shape_cast %swap3A_747 : vector<16xf32> to vector<16xf32>
    %swap3A_749 = vector.shape_cast %scan3A_744 : vector<16xf32> to vector<16xf32>
    tpu.vector_store %arg10[%swap3A_746], %swap3A_749 {strides = array<i32>} : memref<512xf32, #tpu.memory_space<vmem>>, vector<16xf32>,
    %broadcast_in_dim3A_750 = arith.constant 0.000000e+00 : f32
    %broadcast_in_dim3A_751 = vector.broadcast %broadcast_in_dim3A_750 : f32 to vector<16xf32>
    %scan3A_752 = arith.constant 0 : i32
    %scan3A_753 = arith.constant 50 : i32
    %scan3A_754 = arith.addi %scan3A_752, %scan3A_753 : i32
    %scan3A_755 = arith.constant 1 : i32
    %scan3A_756 = scf.for %scan3A_776 = %scan3A_752 to %scan3A_754 step %scan3A_755 iter_args(%scan3A_777 = %broadcast_in_dim3A_751) -> (vector<16xf32>)  : i32 {
      %mul3A_778 = arith.constant 512 : i32
      %mul3A_779 = arith.muli %scan3A_776, %mul3A_778 : i32
      %add3A_780 = arith.constant 480 : i32
      %add3A_781 = arith.addi %mul3A_779, %add3A_780 : i32
      %get3A = arith.index_cast %add3A_781 : i32 to index
      %get3A_782 = tpu.vector_load %arg9[%get3A] {strides = array<i32>} : memref<25600xf32, #tpu.memory_space<vmem>>, vector<16xf32>,
      %get3A_783 = vector.shape_cast %get3A_782 : vector<16xf32> to vector<16xf32>
      %add3A_784 = arith.addf %scan3A_777, %get3A_783 : vector<16xf32>
      scf.yield %add3A_784 : vector<16xf32>
    }
    %scan3A_757 = arith.constant 50 : i32
    %swap3A_758 = arith.constant 480 : index
    %swap3A_759 = tpu.vector_load %arg10[%swap3A_758] {strides = array<i32>} : memref<512xf32, #tpu.memory_space<vmem>>, vector<16xf32>,
    %swap3A_760 = vector.shape_cast %swap3A_759 : vector<16xf32> to vector<16xf32>
    %swap3A_761 = vector.shape_cast %scan3A_756 : vector<16xf32> to vector<16xf32>
    tpu.vector_store %arg10[%swap3A_758], %swap3A_761 {strides = array<i32>} : memref<512xf32, #tpu.memory_space<vmem>>, vector<16xf32>,
    %broadcast_in_dim3A_762 = arith.constant 0.000000e+00 : f32
    %broadcast_in_dim3A_763 = vector.broadcast %broadcast_in_dim3A_762 : f32 to vector<16xf32>
    %scan3A_764 = arith.constant 0 : i32
    %scan3A_765 = arith.constant 50 : i32
    %scan3A_766 = arith.addi %scan3A_764, %scan3A_765 : i32
    %scan3A_767 = arith.constant 1 : i32
    %scan3A_768 = scf.for %scan3A_776 = %scan3A_764 to %scan3A_766 step %scan3A_767 iter_args(%scan3A_777 = %broadcast_in_dim3A_763) -> (vector<16xf32>)  : i32 {
      %mul3A_778 = arith.constant 512 : i32
      %mul3A_779 = arith.muli %scan3A_776, %mul3A_778 : i32
      %add3A_780 = arith.constant 496 : i32
      %add3A_781 = arith.addi %mul3A_779, %add3A_780 : i32
      %get3A = arith.index_cast %add3A_781 : i32 to index
      %get3A_782 = tpu.vector_load %arg9[%get3A] {strides = array<i32>} : memref<25600xf32, #tpu.memory_space<vmem>>, vector<16xf32>,
      %get3A_783 = vector.shape_cast %get3A_782 : vector<16xf32> to vector<16xf32>
      %add3A_784 = arith.addf %scan3A_777, %get3A_783 : vector<16xf32>
      scf.yield %add3A_784 : vector<16xf32>
    }
    %scan3A_769 = arith.constant 50 : i32
    %swap3A_770 = arith.constant 496 : index
    %swap3A_771 = tpu.vector_load %arg10[%swap3A_770] {strides = array<i32>} : memref<512xf32, #tpu.memory_space<vmem>>, vector<16xf32>,
    %swap3A_772 = vector.shape_cast %swap3A_771 : vector<16xf32> to vector<16xf32>
    %swap3A_773 = vector.shape_cast %scan3A_768 : vector<16xf32> to vector<16xf32>
    tpu.vector_store %arg10[%swap3A_770], %swap3A_773 {strides = array<i32>} : memref<512xf32, #tpu.memory_space<vmem>>, vector<16xf32>,
    %mul3A_774 = arith.constant 512 : i32
    %mul3A_775 = arith.muli %add3A, %mul3A_774 : i32
    "tpu.region"() ({
      %run_scoped3A = tpu.sem_alloc : memref<!tpu.dma_semaphore, #tpu.memory_space<semaphore_mem>>
      %dma_start3A_776 = tpu.memref_slice %arg6[%mul3A_775] : memref<16384xf32, #tpu.memory_space<hbm>> -> memref<512xf32, #tpu.memory_space<hbm>>
      %dma_start3A_777 = tpu.memref_slice %arg6[%mul3A_775] : memref<16384xf32, #tpu.memory_space<hbm>> -> memref<512xf32, #tpu.memory_space<hbm>>
      tpu.enqueue_dma source(%arg10 : memref<512xf32, #tpu.memory_space<vmem>>) target(%dma_start3A_777 : memref<512xf32, #tpu.memory_space<hbm>>) target_semaphore(%run_scoped3A : memref<!tpu.dma_semaphore, #tpu.memory_space<semaphore_mem>>)
      %dma_wait3A_778 = tpu.memref_slice %arg6[%mul3A_775] : memref<16384xf32, #tpu.memory_space<hbm>> -> memref<512xf32, #tpu.memory_space<hbm>>
      %dma_wait3A_779 = tpu.memref_slice %arg6[%mul3A_775] : memref<16384xf32, #tpu.memory_space<hbm>> -> memref<512xf32, #tpu.memory_space<hbm>>
      tpu.wait_dma2 semaphore(%run_scoped3A : memref<!tpu.dma_semaphore, #tpu.memory_space<semaphore_mem>>) src(%arg10 : memref<512xf32, #tpu.memory_space<vmem>>) dst(%dma_wait3A_779 : memref<512xf32, #tpu.memory_space<hbm>>)
      tpu.yield
    }) : () -> ()
    return
  }
}

module attributes {stable_mosaic.version = 14 : i64} {
  func.func @_tc_project(%arg0: i32, %arg1: memref<64x3xf32, #tpu.memory_space<vmem>>, %arg2: memref<3x2xf32, #tpu.memory_space<vmem>>, %arg3: memref<2xf32, #tpu.memory_space<vmem>>, %arg4: memref<16384x64xf32, #tpu.memory_space<vmem>>, %arg5: memref<1x16384xf32, #tpu.memory_space<vmem>>, %arg6: memref<1x16384xf32, #tpu.memory_space<vmem>>) attributes {dimension_semantics = [#tpu.dimension_semantics<arbitrary>], iteration_bounds = array<i64: 62>, scalar_prefetch = 0 : i64, scratch_operands = 0 : i64, tpu.core_type = #tpu.core_type<tc>, window_params = [{pipeline_mode = #tpu.pipeline_mode<synchronous>, transform_indices = @transform_0, window_bounds = array<i64: 64, 3>}, {pipeline_mode = #tpu.pipeline_mode<synchronous>, transform_indices = @transform_1, window_bounds = array<i64: 3, 2>}, {pipeline_mode = #tpu.pipeline_mode<synchronous>, transform_indices = @transform_2, window_bounds = array<i64: 2>}, {transform_indices = @transform_3, window_bounds = array<i64: 16384, 64>}, {transform_indices = @transform_4, window_bounds = array<i64: 1, 16384>}, {transform_indices = @transform_5, window_bounds = array<i64: 1, 16384>}]} {
    %get3A = arith.constant 0 : index
    %get3A_0 = arith.constant 0 : index
    %get3A_1 = vector.load %arg1[%get3A, %get3A_0] : memref<64x3xf32, #tpu.memory_space<vmem>>, vector<64x3xf32>
    %get3A_2 = arith.constant 0 : index
    %get3A_3 = arith.constant 0 : index
    %get3A_4 = vector.load %arg2[%get3A_2, %get3A_3] : memref<3x2xf32, #tpu.memory_space<vmem>>, vector<3x2xf32>
    %dot_general3A = arith.constant dense<0.000000e+00> : vector<64x2xf32>
    %dot_general3A_5 = tpu.matmul %get3A_1, %get3A_4, %dot_general3A {dimension_numbers = #tpu.dot_dimension_numbers<[1], [0], [0], [1], [0, 0, 1, 1], [], []>, transpose_lhs_hint = false} : vector<64x3xf32>, vector<3x2xf32>, vector<64x2xf32> -> vector<64x2xf32>
    %transpose3A = tpu.transpose %dot_general3A_5, [1, 0] : vector<64x2xf32> -> vector<2x64xf32>
    %mul3A = arith.constant 2.000000e-02 : f32
    %mul3A_6 = vector.broadcast %mul3A : f32 to vector<2x64xf32>
    %mul3A_7 = arith.mulf %transpose3A, %mul3A_6 : vector<2x64xf32>
    %get3A_8 = arith.constant 0 : index
    %get3A_9 = arith.constant 0 : index
    %get3A_10 = vector.load %arg4[%get3A_8, %get3A_9] : memref<16384x64xf32, #tpu.memory_space<vmem>>, vector<16384x64xf32>
    %dot_general3A_11 = arith.constant dense<0.000000e+00> : vector<2x16384xf32>
    %dot_general3A_12 = tpu.matmul %mul3A_7, %get3A_10, %dot_general3A_11 {dimension_numbers = #tpu.dot_dimension_numbers<[1], [1], [0], [0], [0, 0, 1, 0], [], []>, transpose_lhs_hint = false} : vector<2x64xf32>, vector<16384x64xf32>, vector<2x16384xf32> -> vector<2x16384xf32>
    %get3A_13 = arith.constant 0 : index
    %get3A_14 = vector.load %arg3[%get3A_13] : memref<2xf32, #tpu.memory_space<vmem>>, vector<2xf32>
    %mul3A_15 = arith.constant 2.000000e-02 : f32
    %mul3A_16 = vector.broadcast %mul3A_15 : f32 to vector<2xf32>
    %mul3A_17 = arith.mulf %get3A_14, %mul3A_16 : vector<2xf32>
    %slice3A = vector.extract_strided_slice %dot_general3A_12 {offsets = [0, 0], sizes = [1, 16384], strides = [1, 1]} : vector<2x16384xf32> to vector<1x16384xf32>
    %slice3A_18 = vector.extract_strided_slice %mul3A_17 {offsets = [0], sizes = [1], strides = [1]} : vector<2xf32> to vector<1xf32>
    %squeeze3A = vector.extract %slice3A_18[0] : f32 from vector<1xf32>
    %add3A = vector.broadcast %squeeze3A : f32 to vector<1x16384xf32>
    %add3A_19 = arith.addf %slice3A, %add3A : vector<1x16384xf32>
    %swap3A = arith.constant 0 : index
    %swap3A_20 = arith.constant 0 : index
    %swap3A_21 = vector.load %arg5[%swap3A, %swap3A_20] : memref<1x16384xf32, #tpu.memory_space<vmem>>, vector<1x16384xf32>
    tpu.vector_store %arg5[%swap3A, %swap3A_20], %add3A_19 {strides = array<i32>} : memref<1x16384xf32, #tpu.memory_space<vmem>>, vector<1x16384xf32>,
    %slice3A_22 = vector.extract_strided_slice %dot_general3A_12 {offsets = [1, 0], sizes = [1, 16384], strides = [1, 1]} : vector<2x16384xf32> to vector<1x16384xf32>
    %slice3A_23 = vector.extract_strided_slice %mul3A_17 {offsets = [1], sizes = [1], strides = [1]} : vector<2xf32> to vector<1xf32>
    %squeeze3A_24 = vector.extract %slice3A_23[0] : f32 from vector<1xf32>
    %add3A_25 = vector.broadcast %squeeze3A_24 : f32 to vector<1x16384xf32>
    %add3A_26 = arith.addf %slice3A_22, %add3A_25 : vector<1x16384xf32>
    %swap3A_27 = arith.constant 0 : index
    %swap3A_28 = arith.constant 0 : index
    %swap3A_29 = vector.load %arg6[%swap3A_27, %swap3A_28] : memref<1x16384xf32, #tpu.memory_space<vmem>>, vector<1x16384xf32>
    tpu.vector_store %arg6[%swap3A_27, %swap3A_28], %add3A_26 {strides = array<i32>} : memref<1x16384xf32, #tpu.memory_space<vmem>>, vector<1x16384xf32>,
    return
  }
  func.func @transform_0(%arg0: i32) -> (i32, i32) {
    %c0_i32 = arith.constant 0 : i32
    %c0_i32_0 = arith.constant 0 : i32
    %c0_i32_1 = arith.constant 0 : i32
    return %c0_i32, %c0_i32_0 : i32, i32
  }
  func.func @transform_1(%arg0: i32) -> (i32, i32) {
    %c0_i32 = arith.constant 0 : i32
    %c0_i32_0 = arith.constant 0 : i32
    %c0_i32_1 = arith.constant 0 : i32
    return %c0_i32, %c0_i32_0 : i32, i32
  }
  func.func @transform_2(%arg0: i32) -> i32 {
    %c0_i32 = arith.constant 0 : i32
    %c0_i32_0 = arith.constant 0 : i32
    return %c0_i32 : i32
  }
  func.func @transform_3(%arg0: i32) -> (i32, i32) {
    %c0_i32 = arith.constant 0 : i32
    %c0_i32_0 = arith.constant 0 : i32
    return %arg0, %c0_i32 : i32, i32
  }
  func.func @transform_4(%arg0: i32) -> (i32, i32) {
    %c0_i32 = arith.constant 0 : i32
    %c0_i32_0 = arith.constant 0 : i32
    return %c0_i32, %arg0 : i32, i32
  }
  func.func @transform_5(%arg0: i32) -> (i32, i32) {
    %c0_i32 = arith.constant 0 : i32
    %c0_i32_0 = arith.constant 0 : i32
    return %c0_i32, %arg0 : i32, i32
  }
}

</mosaic_0001>

<sc_bundles>
// kernel: kernel.4.cloned.1.call-start
scs
__scs_entry_jumppad:
0x0: {  	(pc) =	sbr.rel $0x88, $3  }
0x1: {  	(tag) =	ssettag $0x0;
	lr =	simm.s32 $0x1  }
0x2: {  	[smem:$0x3F9C] =	sst lr;
	_ =	strace $0xD0000000  }
0x3: {  	_ = 	snop  }
0x4: {  	_ = 	snop  }
0x5: {  	_ = 	snop  }
0x6: {  	_ = 	snop  }
0x7: {  	_ = 	snop  }
__scs_overlays_trampoline_lowered:
0x8: {  	[smem:$0x3FAB] =	sst s0  }
0x9: {  	[smem:$0x3FAC] =	sst s1  }
0xa: {  	[smem:$0x3FAD] =	sst s2  }
0xb: {  	[smem:$0x3FAE] =	sst s3  }
0xc: {  	[smem:$0x3FAF] =	sst s4  }
0xd: {  	[smem:$0x3FB0] =	sst s5  }
0xe: {  	[smem:$0x3FB1] =	sst s6  }
0xf: {  	[smem:$0x3FB2] =	sst s7  }
0x10: {  	[smem:$0x3FB3] =	sst s8  }
0x11: {  	[smem:$0x3FB4] =	sst s9;
	s0 =	simm.s32 @!p0 $0x0  }
0x12: {  	s1 =	sld [smem:$0x3F9A];
	s0 =	simm.s32 @p0 $0x1  }
0x13: {  	[smem:$0x3FB5] =	sst s0;
	s0 =	simm.s32 @!p1 $0x0  }
0x14: {  	s2 =	sld [smem:$0x3F99];
	s0 =	simm.s32 @p1 $0x1  }
0x15: {  	[smem:$0x3FB6] =	sst s0;
	s0 =	simm.s32 @!p2 $0x0  }
0x16: {  	s3 =	sld [smem:$0x3FDB];
	s0 =	simm.s32 @p2 $0x1  }
0x17: {  	s4 =	simm.s32 $0x1BF5;
	[smem:$0x3FB8] =	sst s0  }
0x18: {  	s0 =	sld [smem:$0x3F9B];
	_ =	swait.ge [sflag:s4], $0x0  }
0x19: {  	s7 =	sld [smem:$0x3F9C]  }
0x1a: {  	s8 =	sadd.s32 $0xFFFFE003, lr  }
0x1b: {  	s9 =	sadd.s32 $0xFFFFFEF7, lr;
	s5 =	simm.s32 $0xFFFFFFFF;
	p2 =	slt.u32 s8, $0xFFFFF086  }
0x1c: {  	p1 =	slt.u32 s9, $0xF7A;
	s5 =	simm.s32 @!p2 $0x0  }
0x1d: {  	s5 =	simm.s32 @p1 $0x1;
	p0 =	seq.s32 s7, s2  }
0x1e: {  	s7 =	smul.u32 @!p0 $0xF7A, s2;
	p2 =	seq.s32 @!p0 s5, $0x0  }
0x1f: {  	s9 =	smul.u32 $0xF7A, s1;
	s8 =	simm.s32 @!p0 $0x1BF5;
	p2 =	por !p2, p0  }
0x20: {  	[sflag:s8] =	ssyncset.s32 @!p0 $0xFFFFF086;
	s6 =	sadd.s32 @!p0 s3, s7;
	s7 =	simm.s32 @!p0 $0x108  }
0x21: {  	s3 =	sadd.s32 s3, s9;
	s6 =	sadd.s32 @!p0 $0x88, s6;
	s7 =	simm.s32 @p2 $0x1082  }
0x22: {  	[simem:s7], [sflag:s8] =	dma.local @!p0 [hbm:s6], $0xF7A  }
0x23: {  	s9 =	sor.u32 $0xD0000000, s2;
	s6 =	simm.s32 $0x108;
	_ =	swait.ge @!p0 [sflag:s8], $0x0  }
0x24: {  	s3 =	sadd.s32 $0x88, s3;
	s6 =	simm.s32 @!p1 $0x1082;
	[sflag:s4] =	ssyncset.s32 $0xFFFFF086  }
0x25: {  	[simem:s6], [sflag:s4] =	dma.local [hbm:s3], $0xF7A  }
0x26: {  	[smem:$0x3F9C] =	sst s1;
	(tag) =	ssettag s2;
	_ =	strace s9  }
0x27: {  	s1 =	sld [smem:$0x3FAC]  }
0x28: {  	s2 =	sld [smem:$0x3FAD]  }
0x29: {  	s4 =	sld [smem:$0x3FAF]  }
0x2a: {  	p0 =	seq.s32 s5, $0x0;
	s5 =	sld [smem:$0x3FB0]  }
0x2b: {  	s6 =	sld [smem:$0x3FB1]  }
0x2c: {  	s7 =	sld [smem:$0x3FB2]  }
0x2d: {  	s3 =	simm.s32 $0x108;
	s8 =	sld [smem:$0x3FB3]  }
0x2e: {  	s3 =	simm.s32 @!p0 $0x1082;
	s9 =	sld [smem:$0x3FB4]  }
0x2f: {  	lr =	sadd.s32 s0, s3;
	s0 =	sld [smem:$0x3FAB]  }
0x30: {  	s3 =	sld [smem:$0x3FAE]  }
0x31: {  	[smem:$0x3FB7] =	sst s10  }
0x32: {  	s10 =	sld [smem:$0x3FB5];
	_ =	sdelay $0x3  }
0x33: {  	p0 =	seq.s32 s10, $0x1;
	s10 =	sld [smem:$0x3FB7];
	_ =	sdelay $0x3  }
0x34: {  	[smem:$0x3FB7] =	sst s10  }
0x35: {  	s10 =	sld [smem:$0x3FB6];
	_ =	sdelay $0x3  }
0x36: {  	p1 =	seq.s32 s10, $0x1;
	s10 =	sld [smem:$0x3FB7];
	_ =	sdelay $0x3  }
0x37: {  	[smem:$0x3FB7] =	sst s10  }
0x38: {  	s10 =	sld [smem:$0x3FB8]  }
0x39: {  	_ = 	snop;
	(pc) =	sbr.ind lr, $3  }
0x3a: {  	_ = 	snop  }
0x3b: {  	_ = 	snop  }
0x3c: {  	p2 =	seq.s32 s10, $0x1;
	s10 =	sld [smem:$0x3FB7]  }
0x3d: {  	_ =	shalt  }
0x3e: {  	_ =	shalt  }
0x3f: {  	_ =	shalt  }
0x40: {  	_ =	shalt  }
0x41: {  	_ =	shalt  }
0x42: {  	_ =	shalt  }
0x43: {  	_ =	shalt  }
0x44: {  	_ =	shalt  }
0x45: {  	_ =	shalt  }
0x46: {  	_ =	shalt  }
0x47: {  	_ =	shalt  }
0x48: {  	_ =	shalt  }
0x49: {  	_ =	shalt  }
0x4a: {  	_ =	shalt  }
0x4b: {  	_ =	shalt  }
0x4c: {  	_ =	shalt  }
0x4d: {  	_ =	shalt  }
0x4e: {  	_ =	shalt  }
0x4f: {  	_ =	shalt  }
0x50: {  	_ =	shalt  }
0x51: {  	_ =	shalt  }
0x52: {  	_ =	shalt  }
0x53: {  	_ =	shalt  }
0x54: {  	_ =	shalt  }
0x55: {  	_ =	shalt  }
0x56: {  	_ =	shalt  }
0x57: {  	_ =	shalt  }
0x58: {  	_ =	shalt  }
0x59: {  	_ =	shalt  }
0x5a: {  	_ =	shalt  }
0x5b: {  	_ =	shalt  }
0x5c: {  	_ =	shalt  }
0x5d: {  	_ =	shalt  }
0x5e: {  	_ =	shalt  }
0x5f: {  	_ =	shalt  }
0x60: {  	_ =	shalt  }
0x61: {  	_ =	shalt  }
0x62: {  	_ =	shalt  }
0x63: {  	_ =	shalt  }
0x64: {  	_ =	shalt  }
0x65: {  	_ =	shalt  }
0x66: {  	_ =	shalt  }
0x67: {  	_ =	shalt  }
0x68: {  	_ =	shalt  }
0x69: {  	_ =	shalt  }
0x6a: {  	_ =	shalt  }
0x6b: {  	_ =	shalt  }
0x6c: {  	_ =	shalt  }
0x6d: {  	_ =	shalt  }
0x6e: {  	_ =	shalt  }
0x6f: {  	_ =	shalt  }
0x70: {  	_ =	shalt  }
0x71: {  	_ =	shalt  }
0x72: {  	_ =	shalt  }
0x73: {  	_ =	shalt  }
0x74: {  	_ =	shalt  }
0x75: {  	_ =	shalt  }
0x76: {  	_ =	shalt  }
0x77: {  	_ =	shalt  }
0x78: {  	_ =	shalt  }
0x79: {  	_ =	shalt  }
0x7a: {  	_ =	shalt  }
0x7b: {  	_ =	shalt  }
0x7c: {  	_ =	shalt  }
0x7d: {  	_ =	shalt  }
0x7e: {  	_ =	shalt  }
0x7f: {  	_ =	shalt  }
0x80: {  	_ =	shalt  }
0x81: {  	_ =	shalt  }
0x82: {  	_ =	shalt  }
0x83: {  	_ =	shalt  }
0x84: {  	_ =	shalt  }
0x85: {  	_ =	shalt  }
0x86: {  	_ =	shalt  }
0x87: {  	_ =	shalt  }
.Lfunc_end0:
.L_simem_size_0:
called_computation_lowered:
.L_overlay_start_0:
0x88: {  	s2 =	sld [smem:$0x3FD9]  }
0x89: {  	s3 =	sld [smem:$0x3FFE];
	_ =	sdelay $0x1  }
0x8a: {  	s1 =	srdreg.scid  }
0x8b: {  	s0 =	sand.u32 $0x1, s1  }
0x8c: {  	s16 =	sshll.u32 s0, $0xA;
	s2 =	sadd.s32 s3, s2  }
0x8d: {  	s2 =	sadd.s32 s2, s16  }
0x8e: {  	[smem:$0x3FC3] =	sst s2  }
0x8f: {  	_ = 	snop  }
0x90: {  	(tm) =	ssettm $0x1  }
0x91: {  	s17 =	sld [smem:$0x3FFB];
	_ =	sdelay $0x3  }
0x92: {  	_ =	strace s17  }
0x93: {  	s2 =	sld [smem:$0x3FFC];
	_ =	sdelay $0x3  }
0x94: {  	_ =	strace s2  }
0x95: {  	s2 =	sld [smem:$0x3FFD];
	_ =	sdelay $0x3  }
0x96: {  	_ =	strace s2  }
0x97: {  	_ =	strace $0x8FFFFFFF  }
0x98: {  	s18 =	sld [smem:$0x3FDB];
	_ =	sdelay $0x1  }
0x99: {  	s19 =	simm.s32 $_scs_section_size  }
0x9a: {  	s4 =	simm.s32 $_size__tile_overlayer_lowered;
	s5 =	simm.s32 $_tile_overlayer_lowered  }
0x9b: {  	s22 =	simm.s32 $0x1BFF;
	s21 =	sshll.u32 s5, $0x1;
	s2 =	sadd.s32 s19, s18  }
0x9c: {  	s6 =	simm.s32 $0x0;
	s20 =	sshll.u32 s4, $0x1;
	s4 =	sadd.s32 s21, s2  }
0x9d: {  	[timem:s6], [sflag:s22] =	dma.local [hbm:s4], s20  }
0x9e: {  	_ =	swait.ge [sflag:s22], s20  }
0x9f: {  	s3 =	ssub.s32 $0x0, s20;
	[sflag:s22] =	ssyncset.done $0x0  }
0xa0: {  	[sflag:s22] =	ssyncadd.s32 s3;
	_ =	sdelay $0x1  }
0xa1: {  	s23 =	simm.s32 $0x1B8B  }
0xa2: {  	_ =	swait.ge [sflag:s23], $0x1  }
0xa3: {  	[sflag:s23] =	ssyncset.done $0x0  }
0xa4: {  	s25 =	simm.s32 $0x1B8E;
	s24 =	sld [smem:$0x3FFE];
	[sflag:s23] =	ssyncadd.s32 $0xFFFFFFFF  }
0xa5: {  	s26 =	simm.s32 $execute0_lowered;
	[smem:$0x3FD2] =	sst s25  }
0xa6: {  	s4 =	sshll.u32 s26, $0x1;
	_ =	strace $0x80000046;
	[dreg:$0x1] =	wrdreg $0xFFFFFFFF  }
0xa7: {  	s28 =	simm.s32 $_size_execute0_lowered;
	s2 =	sadd.s32 s2, s4;
	[dreg:$0x0] =	wrdreg $0x0  }
0xa8: {  	s4 =	sshll.u32 s28, $0x1;
	[dreg:$0x2] =	wrdreg s2  }
0xa9: {  	[dreg:$0x3] =	wrdreg s4  }
0xaa: {  	[dreg:$0x4] =	wrdreg $0xC0  }
0xab: {  	_ =	task [dreg:s6], $0x5FFFF  }
0xac: {  	[dreg:$0x1] =	wrdreg $0xFFFFFFFF  }
0xad: {  	[dreg:$0x0] =	wrdreg $0x60  }
0xae: {  	[dreg:$0x2] =	wrdreg s24  }
0xaf: {  	[dreg:$0x3] =	wrdreg $0x9  }
0xb0: {  	_ =	task.clear_ibuf [dreg:s6], $0x4FFFF;
	_ =	strace $0x90000046  }
0xb1: {  	s29 =	simm.s32 $0x9;
	_ =	strace $0x80000048  }
0xb2: {  	_ =	swait.ge [sflag:s29], $0x1  }
0xb3: {  	[sflag:s29] =	ssyncadd.s32 $0xFFFFFFFF  }
0xb4: {  	_ =	strace $0x90000048  }
0xb5: {  	_ =	sfence  }
0xb6: {  	s30 =	sld [smem:$0x0];
	_ =	sdelay $0x2  }
0xb7: {  	s31 =	sshll.u32 s1, $0xD;
	s1 =	sshrl.u32 s1, $0x2  }
0xb8: {  	s3 =	sand.u32 $0x4000, s31;
	s1 =	sadd.s32 s1, s30  }
0xb9: {  	s0 =	sor.u32 s3, s0;
	s1 =	sshll.u32 s1, $0x11  }
0xba: {  	s0 =	sor.u32 s1, s0  }
0xbb: {  	s0 =	sadd.s32 $0x8F2B, s0  }
0xbc: {  	[sflag:s0] =	ssyncadd.remote.s32 $0x1  }
0xbd: {  	_ =	sfence.sel $0xFFFF  }
0xbe: {  	[dreg:$0x0] =	wrdreg $0xFFFFFFFF;
	(pc) =	sbr.abs _section_cstart, $3  }
0xbf: {  	[dreg:$0x1] =	wrdreg $0xFFFFFFFF  }
0xc0: {  	_ =	task.clear_ibuf [dreg:s6], $0x2FFFF;
	_ =	strace $0x9FFFFFFF  }
0xc1: {  	(tm) =	ssettm $0x7FFFFFFF  }
tec
execute0_lowered:
.L_overlay_start_1:
0x0: {  	(tag) =	ssettag $0x1  }
0x1: {  	s0 =	srdreg.scid  }
0x2: {  	s6 =	rddreg [dreg:$0x0];
	s2 =	simm.s32 $0x0;
	s10 =	simm.s32 $0x400  }
0x3: {  	s11 =	simm.s32 $0x3;
	s12 =	simm.s32 $0x6400;
	s13 =	simm.s32 $0xC800  }
0x4: {  	s14 =	simm.s32 $0x1;
	s15 =	simm.s32 $0x12C00;
	s5 =	sand.u32 $0x1, s0  }
0x5: {  	s16 =	simm.s32 $0x2;
	s0 =	stileid.u32;
	s1 =	sshll.u32 s5, $0x4  }
0x6: {  	s17 =	simm.s32 $0x0;
	[smem:$0x7FF] =	sst s2;
	s7 =	sor.u32 s0, s1  }
0x7: {  	s31 =	sshll.u32 s0, $0x7;
	s5 =	ssub.s32 $0x2, s5;
	s3 =	sshrl.u32 s7, $0x3  }
0x8: {  	s1 =	rddreg [dreg:$0x1];
	s8 =	sand.u32 $0x380, s31;
	s4 =	smul.u32 $0x32000, s3  }
0x9: {  	_ =	strace $0x80000047;
	s9 =	sshrl.u32 s5, $0x1;
	s7 =	sshll.u32 s7, $0x6  }
0xa: {  	s9 =	ssub.s32 s5, s9;
	s3 =	sadd.s32 $0x800, s6;
	s8 =	sor.u32 s8, s4  }
0xb: {  	s7 =	sadd.s32 s7, s6;
	s4 =	sadd.s32 $0x1F200, s6;
	s8 =	sshrl.u32 s8, $0x3  }
0xc: {  	s8 =	sadd.s32 s8, s6;
	s6 =	sadd.s32 $0x56C00, s7;
	s7 =	sadd.s32 $0x57400, s7  }
0xd: {  	s5 =	sadd.s32 $0x3DC00, s8;
	s8 =	smax.u32 s9, $0x1;
	s9 =	simm.s32 $0x80  }
.LBB2_1:
0xe: {  	[tilespmem:s2], [sflag:$0x3] =	stream.strided.gather [hbm4b:s5+s9], $0x6400, s10, s9, $0x38;
	[tilespmem:$0x12E00] =	vst v63  }
0xf: {  	_ =	swait.ge [sflag:s11], $0x6400  }
0x10: {  	[sflag:s11] =	ssyncset.done $0x0  }
0x11: {  	[sflag:s11] =	ssyncadd.s32 $0xFFFF9C00  }
0x12: {  	[tilespmem:s12], [sflag:$0x1] =	stream.indirect.gather [hbm4b:s3+s12], $0x1, s2, s12, $0xb8;
	[tilespmem:$0x12E00] =	vst v63  }
0x13: {  	_ = 	snop  }
0x14: {  	[tilespmem:s13], [sflag:$0x2] =	stream.indirect.gather [hbm4b:s4+s12], $0x1, s2, s12, $0xb8;
	[tilespmem:$0x12E00] =	vst v63  }
0x15: {  	_ =	swait.ge [sflag:s14], $0x6400  }
0x16: {  	[sflag:s14] =	ssyncset.done $0x0  }
0x17: {  	s19 =	simm.s32 $0x0;
	[sflag:s14] =	ssyncadd.s32 $0xFFFF9C00  }
0x18: {  	v0 =	vimm.f32 $0.0e+00;
	s18 =	simm.s32 $0x800;
	v1 =	vld [tilespmem:s19+$0x6400]  }
.LBB2_2:
0x19: {  	p0 =	sne.s32 s18, $0x18800  }
.Ltmp0:
0x1a: {  	_ = 	snop;
	(pc) =	sbr.rel @p0 .LBB2_2-.Ltmp0, $3  }
0x1b: {  	_ =	sdelay $0x1  }
0x1c: {  	s19 =	sshra.s32 s18, $0x2;
	s18 =	sadd.s32 $0x800, s18;
	v0 =	vadd.f32 v1, v0  }
0x1d: {  	v1 =	vld [tilespmem:s19+$0x6400]  }
0x1e: {  	_ =	sdelay $0x3  }
0x1f: {  	v0 =	vadd.f32 v1, v0;
	_ =	sdelay $0x1  }
0x20: {  	s19 =	simm.s32 $0x10;
	[tilespmem:$0x12C00] =	vst v0  }
0x21: {  	s18 =	simm.s32 $0x840;
	v0 =	vimm.f32 $0.0e+00;
	v1 =	vld [tilespmem:s19+$0x6400]  }
.LBB2_4:
0x22: {  	p0 =	sne.s32 s18, $0x18840  }
.Ltmp1:
0x23: {  	_ = 	snop;
	(pc) =	sbr.rel @p0 .LBB2_4-.Ltmp1, $3  }
0x24: {  	_ =	sdelay $0x1  }
0x25: {  	s19 =	sshra.s32 s18, $0x2;
	s18 =	sadd.s32 $0x800, s18;
	v0 =	vadd.f32 v1, v0  }
0x26: {  	v1 =	vld [tilespmem:s19+$0x6400]  }
0x27: {  	_ =	sdelay $0x3  }
0x28: {  	v0 =	vadd.f32 v1, v0;
	_ =	sdelay $0x1  }
0x29: {  	s19 =	simm.s32 $0x20;
	[tilespmem:$0x12C10] =	vst v0  }
0x2a: {  	s18 =	simm.s32 $0x880;
	v0 =	vimm.f32 $0.0e+00;
	v1 =	vld [tilespmem:s19+$0x6400]  }
.LBB2_6:
0x2b: {  	p0 =	sne.s32 s18, $0x18880  }
.Ltmp2:
0x2c: {  	_ = 	snop;
	(pc) =	sbr.rel @p0 .LBB2_6-.Ltmp2, $3  }
0x2d: {  	_ =	sdelay $0x1  }
0x2e: {  	s19 =	sshra.s32 s18, $0x2;
	s18 =	sadd.s32 $0x800, s18;
	v0 =	vadd.f32 v1, v0  }
0x2f: {  	v1 =	vld [tilespmem:s19+$0x6400]  }
0x30: {  	_ =	sdelay $0x3  }
0x31: {  	v0 =	vadd.f32 v1, v0;
	_ =	sdelay $0x1  }
0x32: {  	s19 =	simm.s32 $0x30;
	[tilespmem:$0x12C20] =	vst v0  }
0x33: {  	s18 =	simm.s32 $0x8C0;
	v0 =	vimm.f32 $0.0e+00;
	v1 =	vld [tilespmem:s19+$0x6400]  }
.LBB2_8:
0x34: {  	p0 =	sne.s32 s18, $0x188C0  }
.Ltmp3:
0x35: {  	_ = 	snop;
	(pc) =	sbr.rel @p0 .LBB2_8-.Ltmp3, $3  }
0x36: {  	_ =	sdelay $0x1  }
0x37: {  	s19 =	sshra.s32 s18, $0x2;
	s18 =	sadd.s32 $0x800, s18;
	v0 =	vadd.f32 v1, v0  }
0x38: {  	v1 =	vld [tilespmem:s19+$0x6400]  }
0x39: {  	_ =	sdelay $0x3  }
0x3a: {  	v0 =	vadd.f32 v1, v0;
	_ =	sdelay $0x1  }
0x3b: {  	s19 =	simm.s32 $0x40;
	[tilespmem:$0x12C30] =	vst v0  }
0x3c: {  	s18 =	simm.s32 $0x900;
	v0 =	vimm.f32 $0.0e+00;
	v1 =	vld [tilespmem:s19+$0x6400]  }
.LBB2_10:
0x3d: {  	p0 =	sne.s32 s18, $0x18900  }
.Ltmp4:
0x3e: {  	_ = 	snop;
	(pc) =	sbr.rel @p0 .LBB2_10-.Ltmp4, $3  }
0x3f: {  	_ =	sdelay $0x1  }
0x40: {  	s19 =	sshra.s32 s18, $0x2;
	s18 =	sadd.s32 $0x800, s18;
	v0 =	vadd.f32 v1, v0  }
0x41: {  	v1 =	vld [tilespmem:s19+$0x6400]  }
0x42: {  	_ =	sdelay $0x3  }
0x43: {  	v0 =	vadd.f32 v1, v0;
	_ =	sdelay $0x1  }
0x44: {  	s19 =	simm.s32 $0x50;
	[tilespmem:$0x12C40] =	vst v0  }
0x45: {  	s18 =	simm.s32 $0x940;
	v0 =	vimm.f32 $0.0e+00;
	v1 =	vld [tilespmem:s19+$0x6400]  }
.LBB2_12:
0x46: {  	p0 =	sne.s32 s18, $0x18940  }
.Ltmp5:
0x47: {  	_ = 	snop;
	(pc) =	sbr.rel @p0 .LBB2_12-.Ltmp5, $3  }
0x48: {  	_ =	sdelay $0x1  }
0x49: {  	s19 =	sshra.s32 s18, $0x2;
	s18 =	sadd.s32 $0x800, s18;
	v0 =	vadd.f32 v1, v0  }
0x4a: {  	v1 =	vld [tilespmem:s19+$0x6400]  }
0x4b: {  	_ =	sdelay $0x3  }
0x4c: {  	v0 =	vadd.f32 v1, v0;
	_ =	sdelay $0x1  }
0x4d: {  	s19 =	simm.s32 $0x60;
	[tilespmem:$0x12C50] =	vst v0  }
0x4e: {  	s18 =	simm.s32 $0x980;
	v0 =	vimm.f32 $0.0e+00;
	v1 =	vld [tilespmem:s19+$0x6400]  }
.LBB2_14:
0x4f: {  	p0 =	sne.s32 s18, $0x18980  }
.Ltmp6:
0x50: {  	_ = 	snop;
	(pc) =	sbr.rel @p0 .LBB2_14-.Ltmp6, $3  }
0x51: {  	_ =	sdelay $0x1  }
0x52: {  	s19 =	sshra.s32 s18, $0x2;
	s18 =	sadd.s32 $0x800, s18;
	v0 =	vadd.f32 v1, v0  }
0x53: {  	v1 =	vld [tilespmem:s19+$0x6400]  }
0x54: {  	_ =	sdelay $0x3  }
0x55: {  	v0 =	vadd.f32 v1, v0;
	_ =	sdelay $0x1  }
0x56: {  	s19 =	simm.s32 $0x70;
	[tilespmem:$0x12C60] =	vst v0  }
0x57: {  	s18 =	simm.s32 $0x9C0;
	v0 =	vimm.f32 $0.0e+00;
	v1 =	vld [tilespmem:s19+$0x6400]  }
.LBB2_16:
0x58: {  	p0 =	sne.s32 s18, $0x189C0  }
.Ltmp7:
0x59: {  	_ = 	snop;
	(pc) =	sbr.rel @p0 .LBB2_16-.Ltmp7, $3  }
0x5a: {  	_ =	sdelay $0x1  }
0x5b: {  	s19 =	sshra.s32 s18, $0x2;
	s18 =	sadd.s32 $0x800, s18;
	v0 =	vadd.f32 v1, v0  }
0x5c: {  	v1 =	vld [tilespmem:s19+$0x6400]  }
0x5d: {  	_ =	sdelay $0x3  }
0x5e: {  	v0 =	vadd.f32 v1, v0;
	_ =	sdelay $0x1  }
0x5f: {  	s19 =	simm.s32 $0x80;
	[tilespmem:$0x12C70] =	vst v0  }
0x60: {  	s18 =	simm.s32 $0xA00;
	v0 =	vimm.f32 $0.0e+00;
	v1 =	vld [tilespmem:s19+$0x6400]  }
.LBB2_18:
0x61: {  	p0 =	sne.s32 s18, $0x18A00  }
.Ltmp8:
0x62: {  	_ = 	snop;
	(pc) =	sbr.rel @p0 .LBB2_18-.Ltmp8, $3  }
0x63: {  	_ =	sdelay $0x1  }
0x64: {  	s19 =	sshra.s32 s18, $0x2;
	s18 =	sadd.s32 $0x800, s18;
	v0 =	vadd.f32 v1, v0  }
0x65: {  	v1 =	vld [tilespmem:s19+$0x6400]  }
0x66: {  	_ =	sdelay $0x3  }
0x67: {  	v0 =	vadd.f32 v1, v0;
	_ =	sdelay $0x1  }
0x68: {  	s19 =	simm.s32 $0x90;
	[tilespmem:$0x12C80] =	vst v0  }
0x69: {  	s18 =	simm.s32 $0xA40;
	v0 =	vimm.f32 $0.0e+00;
	v1 =	vld [tilespmem:s19+$0x6400]  }
.LBB2_20:
0x6a: {  	p0 =	sne.s32 s18, $0x18A40  }
.Ltmp9:
0x6b: {  	_ = 	snop;
	(pc) =	sbr.rel @p0 .LBB2_20-.Ltmp9, $3  }
0x6c: {  	_ =	sdelay $0x1  }
0x6d: {  	s19 =	sshra.s32 s18, $0x2;
	s18 =	sadd.s32 $0x800, s18;
	v0 =	vadd.f32 v1, v0  }
0x6e: {  	v1 =	vld [tilespmem:s19+$0x6400]  }
0x6f: {  	_ =	sdelay $0x3  }
0x70: {  	v0 =	vadd.f32 v1, v0;
	_ =	sdelay $0x1  }
0x71: {  	s19 =	simm.s32 $0xA0;
	[tilespmem:$0x12C90] =	vst v0  }
0x72: {  	s18 =	simm.s32 $0xA80;
	v0 =	vimm.f32 $0.0e+00;
	v1 =	vld [tilespmem:s19+$0x6400]  }
.LBB2_22:
0x73: {  	p0 =	sne.s32 s18, $0x18A80  }
.Ltmp10:
0x74: {  	_ = 	snop;
	(pc) =	sbr.rel @p0 .LBB2_22-.Ltmp10, $3  }
0x75: {  	_ =	sdelay $0x1  }
0x76: {  	s19 =	sshra.s32 s18, $0x2;
	s18 =	sadd.s32 $0x800, s18;
	v0 =	vadd.f32 v1, v0  }
0x77: {  	v1 =	vld [tilespmem:s19+$0x6400]  }
0x78: {  	_ =	sdelay $0x3  }
0x79: {  	v0 =	vadd.f32 v1, v0;
	_ =	sdelay $0x1  }
0x7a: {  	s19 =	simm.s32 $0xB0;
	[tilespmem:$0x12CA0] =	vst v0  }
0x7b: {  	s18 =	simm.s32 $0xAC0;
	v0 =	vimm.f32 $0.0e+00;
	v1 =	vld [tilespmem:s19+$0x6400]  }
.LBB2_24:
0x7c: {  	p0 =	sne.s32 s18, $0x18AC0  }
.Ltmp11:
0x7d: {  	_ = 	snop;
	(pc) =	sbr.rel @p0 .LBB2_24-.Ltmp11, $3  }
0x7e: {  	_ =	sdelay $0x1  }
0x7f: {  	s19 =	sshra.s32 s18, $0x2;
	s18 =	sadd.s32 $0x800, s18;
	v0 =	vadd.f32 v1, v0  }
0x80: {  	v1 =	vld [tilespmem:s19+$0x6400]  }
0x81: {  	_ =	sdelay $0x3  }
0x82: {  	v0 =	vadd.f32 v1, v0;
	_ =	sdelay $0x1  }
0x83: {  	s19 =	simm.s32 $0xC0;
	[tilespmem:$0x12CB0] =	vst v0  }
0x84: {  	s18 =	simm.s32 $0xB00;
	v0 =	vimm.f32 $0.0e+00;
	v1 =	vld [tilespmem:s19+$0x6400]  }
.LBB2_26:
0x85: {  	p0 =	sne.s32 s18, $0x18B00  }
.Ltmp12:
0x86: {  	_ = 	snop;
	(pc) =	sbr.rel @p0 .LBB2_26-.Ltmp12, $3  }
0x87: {  	_ =	sdelay $0x1  }
0x88: {  	s19 =	sshra.s32 s18, $0x2;
	s18 =	sadd.s32 $0x800, s18;
	v0 =	vadd.f32 v1, v0  }
0x89: {  	v1 =	vld [tilespmem:s19+$0x6400]  }
0x8a: {  	_ =	sdelay $0x3  }
0x8b: {  	v0 =	vadd.f32 v1, v0;
	_ =	sdelay $0x1  }
0x8c: {  	s19 =	simm.s32 $0xD0;
	[tilespmem:$0x12CC0] =	vst v0  }
0x8d: {  	s18 =	simm.s32 $0xB40;
	v0 =	vimm.f32 $0.0e+00;
	v1 =	vld [tilespmem:s19+$0x6400]  }
.LBB2_28:
0x8e: {  	p0 =	sne.s32 s18, $0x18B40  }
.Ltmp13:
0x8f: {  	_ = 	snop;
	(pc) =	sbr.rel @p0 .LBB2_28-.Ltmp13, $3  }
0x90: {  	_ =	sdelay $0x1  }
0x91: {  	s19 =	sshra.s32 s18, $0x2;
	s18 =	sadd.s32 $0x800, s18;
	v0 =	vadd.f32 v1, v0  }
0x92: {  	v1 =	vld [tilespmem:s19+$0x6400]  }
0x93: {  	_ =	sdelay $0x3  }
0x94: {  	v0 =	vadd.f32 v1, v0;
	_ =	sdelay $0x1  }
0x95: {  	s19 =	simm.s32 $0xE0;
	[tilespmem:$0x12CD0] =	vst v0  }
0x96: {  	s18 =	simm.s32 $0xB80;
	v0 =	vimm.f32 $0.0e+00;
	v1 =	vld [tilespmem:s19+$0x6400]  }
.LBB2_30:
0x97: {  	p0 =	sne.s32 s18, $0x18B80  }
.Ltmp14:
0x98: {  	_ = 	snop;
	(pc) =	sbr.rel @p0 .LBB2_30-.Ltmp14, $3  }
0x99: {  	_ =	sdelay $0x1  }
0x9a: {  	s19 =	sshra.s32 s18, $0x2;
	s18 =	sadd.s32 $0x800, s18;
	v0 =	vadd.f32 v1, v0  }
0x9b: {  	v1 =	vld [tilespmem:s19+$0x6400]  }
0x9c: {  	_ =	sdelay $0x3  }
0x9d: {  	v0 =	vadd.f32 v1, v0;
	_ =	sdelay $0x1  }
0x9e: {  	s19 =	simm.s32 $0xF0;
	[tilespmem:$0x12CE0] =	vst v0  }
0x9f: {  	s18 =	simm.s32 $0xBC0;
	v0 =	vimm.f32 $0.0e+00;
	v1 =	vld [tilespmem:s19+$0x6400]  }
.LBB2_32:
0xa0: {  	p0 =	sne.s32 s18, $0x18BC0  }
.Ltmp15:
0xa1: {  	_ = 	snop;
	(pc) =	sbr.rel @p0 .LBB2_32-.Ltmp15, $3  }
0xa2: {  	_ =	sdelay $0x1  }
0xa3: {  	s19 =	sshra.s32 s18, $0x2;
	s18 =	sadd.s32 $0x800, s18;
	v0 =	vadd.f32 v1, v0  }
0xa4: {  	v1 =	vld [tilespmem:s19+$0x6400]  }
0xa5: {  	_ =	sdelay $0x3  }
0xa6: {  	v0 =	vadd.f32 v1, v0;
	_ =	sdelay $0x1  }
0xa7: {  	s19 =	simm.s32 $0x100;
	[tilespmem:$0x12CF0] =	vst v0  }
0xa8: {  	s18 =	simm.s32 $0xC00;
	v0 =	vimm.f32 $0.0e+00;
	v1 =	vld [tilespmem:s19+$0x6400]  }
.LBB2_34:
0xa9: {  	p0 =	sne.s32 s18, $0x18C00  }
.Ltmp16:
0xaa: {  	_ = 	snop;
	(pc) =	sbr.rel @p0 .LBB2_34-.Ltmp16, $3  }
0xab: {  	_ =	sdelay $0x1  }
0xac: {  	s19 =	sshra.s32 s18, $0x2;
	s18 =	sadd.s32 $0x800, s18;
	v0 =	vadd.f32 v1, v0  }
0xad: {  	v1 =	vld [tilespmem:s19+$0x6400]  }
0xae: {  	_ =	sdelay $0x3  }
0xaf: {  	v0 =	vadd.f32 v1, v0;
	_ =	sdelay $0x1  }
0xb0: {  	s19 =	simm.s32 $0x110;
	[tilespmem:$0x12D00] =	vst v0  }
0xb1: {  	s18 =	simm.s32 $0xC40;
	v0 =	vimm.f32 $0.0e+00;
	v1 =	vld [tilespmem:s19+$0x6400]  }
.LBB2_36:
0xb2: {  	p0 =	sne.s32 s18, $0x18C40  }
.Ltmp17:
0xb3: {  	_ = 	snop;
	(pc) =	sbr.rel @p0 .LBB2_36-.Ltmp17, $3  }
0xb4: {  	_ =	sdelay $0x1  }
0xb5: {  	s19 =	sshra.s32 s18, $0x2;
	s18 =	sadd.s32 $0x800, s18;
	v0 =	vadd.f32 v1, v0  }
0xb6: {  	v1 =	vld [tilespmem:s19+$0x6400]  }
0xb7: {  	_ =	sdelay $0x3  }
0xb8: {  	v0 =	vadd.f32 v1, v0;
	_ =	sdelay $0x1  }
0xb9: {  	s19 =	simm.s32 $0x120;
	[tilespmem:$0x12D10] =	vst v0  }
0xba: {  	s18 =	simm.s32 $0xC80;
	v0 =	vimm.f32 $0.0e+00;
	v1 =	vld [tilespmem:s19+$0x6400]  }
.LBB2_38:
0xbb: {  	p0 =	sne.s32 s18, $0x18C80  }
.Ltmp18:
0xbc: {  	_ = 	snop;
	(pc) =	sbr.rel @p0 .LBB2_38-.Ltmp18, $3  }
0xbd: {  	_ =	sdelay $0x1  }
0xbe: {  	s19 =	sshra.s32 s18, $0x2;
	s18 =	sadd.s32 $0x800, s18;
	v0 =	vadd.f32 v1, v0  }
0xbf: {  	v1 =	vld [tilespmem:s19+$0x6400]  }
0xc0: {  	_ =	sdelay $0x3  }
0xc1: {  	v0 =	vadd.f32 v1, v0;
	_ =	sdelay $0x1  }
0xc2: {  	s19 =	simm.s32 $0x130;
	[tilespmem:$0x12D20] =	vst v0  }
0xc3: {  	s18 =	simm.s32 $0xCC0;
	v0 =	vimm.f32 $0.0e+00;
	v1 =	vld [tilespmem:s19+$0x6400]  }
.LBB2_40:
0xc4: {  	p0 =	sne.s32 s18, $0x18CC0  }
.Ltmp19:
0xc5: {  	_ = 	snop;
	(pc) =	sbr.rel @p0 .LBB2_40-.Ltmp19, $3  }
0xc6: {  	_ =	sdelay $0x1  }
0xc7: {  	s19 =	sshra.s32 s18, $0x2;
	s18 =	sadd.s32 $0x800, s18;
	v0 =	vadd.f32 v1, v0  }
0xc8: {  	v1 =	vld [tilespmem:s19+$0x6400]  }
0xc9: {  	_ =	sdelay $0x3  }
0xca: {  	v0 =	vadd.f32 v1, v0;
	_ =	sdelay $0x1  }
0xcb: {  	s19 =	simm.s32 $0x140;
	[tilespmem:$0x12D30] =	vst v0  }
0xcc: {  	s18 =	simm.s32 $0xD00;
	v0 =	vimm.f32 $0.0e+00;
	v1 =	vld [tilespmem:s19+$0x6400]  }
.LBB2_42:
0xcd: {  	p0 =	sne.s32 s18, $0x18D00  }
.Ltmp20:
0xce: {  	_ = 	snop;
	(pc) =	sbr.rel @p0 .LBB2_42-.Ltmp20, $3  }
0xcf: {  	_ =	sdelay $0x1  }
0xd0: {  	s19 =	sshra.s32 s18, $0x2;
	s18 =	sadd.s32 $0x800, s18;
	v0 =	vadd.f32 v1, v0  }
0xd1: {  	v1 =	vld [tilespmem:s19+$0x6400]  }
0xd2: {  	_ =	sdelay $0x3  }
0xd3: {  	v0 =	vadd.f32 v1, v0;
	_ =	sdelay $0x1  }
0xd4: {  	s19 =	simm.s32 $0x150;
	[tilespmem:$0x12D40] =	vst v0  }
0xd5: {  	s18 =	simm.s32 $0xD40;
	v0 =	vimm.f32 $0.0e+00;
	v1 =	vld [tilespmem:s19+$0x6400]  }
.LBB2_44:
0xd6: {  	p0 =	sne.s32 s18, $0x18D40  }
.Ltmp21:
0xd7: {  	_ = 	snop;
	(pc) =	sbr.rel @p0 .LBB2_44-.Ltmp21, $3  }
0xd8: {  	_ =	sdelay $0x1  }
0xd9: {  	s19 =	sshra.s32 s18, $0x2;
	s18 =	sadd.s32 $0x800, s18;
	v0 =	vadd.f32 v1, v0  }
0xda: {  	v1 =	vld [tilespmem:s19+$0x6400]  }
0xdb: {  	_ =	sdelay $0x3  }
0xdc: {  	v0 =	vadd.f32 v1, v0;
	_ =	sdelay $0x1  }
0xdd: {  	s19 =	simm.s32 $0x160;
	[tilespmem:$0x12D50] =	vst v0  }
0xde: {  	s18 =	simm.s32 $0xD80;
	v0 =	vimm.f32 $0.0e+00;
	v1 =	vld [tilespmem:s19+$0x6400]  }
.LBB2_46:
0xdf: {  	p0 =	sne.s32 s18, $0x18D80  }
.Ltmp22:
0xe0: {  	_ = 	snop;
	(pc) =	sbr.rel @p0 .LBB2_46-.Ltmp22, $3  }
0xe1: {  	_ =	sdelay $0x1  }
0xe2: {  	s19 =	sshra.s32 s18, $0x2;
	s18 =	sadd.s32 $0x800, s18;
	v0 =	vadd.f32 v1, v0  }
0xe3: {  	v1 =	vld [tilespmem:s19+$0x6400]  }
0xe4: {  	_ =	sdelay $0x3  }
0xe5: {  	v0 =	vadd.f32 v1, v0;
	_ =	sdelay $0x1  }
0xe6: {  	s19 =	simm.s32 $0x170;
	[tilespmem:$0x12D60] =	vst v0  }
0xe7: {  	s18 =	simm.s32 $0xDC0;
	v0 =	vimm.f32 $0.0e+00;
	v1 =	vld [tilespmem:s19+$0x6400]  }
.LBB2_48:
0xe8: {  	p0 =	sne.s32 s18, $0x18DC0  }
.Ltmp23:
0xe9: {  	_ = 	snop;
	(pc) =	sbr.rel @p0 .LBB2_48-.Ltmp23, $3  }
0xea: {  	_ =	sdelay $0x1  }
0xeb: {  	s19 =	sshra.s32 s18, $0x2;
	s18 =	sadd.s32 $0x800, s18;
	v0 =	vadd.f32 v1, v0  }
0xec: {  	v1 =	vld [tilespmem:s19+$0x6400]  }
0xed: {  	_ =	sdelay $0x3  }
0xee: {  	v0 =	vadd.f32 v1, v0;
	_ =	sdelay $0x1  }
0xef: {  	s19 =	simm.s32 $0x180;
	[tilespmem:$0x12D70] =	vst v0  }
0xf0: {  	s18 =	simm.s32 $0xE00;
	v0 =	vimm.f32 $0.0e+00;
	v1 =	vld [tilespmem:s19+$0x6400]  }
.LBB2_50:
0xf1: {  	p0 =	sne.s32 s18, $0x18E00  }
.Ltmp24:
0xf2: {  	_ = 	snop;
	(pc) =	sbr.rel @p0 .LBB2_50-.Ltmp24, $3  }
0xf3: {  	_ =	sdelay $0x1  }
0xf4: {  	s19 =	sshra.s32 s18, $0x2;
	s18 =	sadd.s32 $0x800, s18;
	v0 =	vadd.f32 v1, v0  }
0xf5: {  	v1 =	vld [tilespmem:s19+$0x6400]  }
0xf6: {  	_ =	sdelay $0x3  }
0xf7: {  	v0 =	vadd.f32 v1, v0;
	_ =	sdelay $0x1  }
0xf8: {  	s19 =	simm.s32 $0x190;
	[tilespmem:$0x12D80] =	vst v0  }
0xf9: {  	s18 =	simm.s32 $0xE40;
	v0 =	vimm.f32 $0.0e+00;
	v1 =	vld [tilespmem:s19+$0x6400]  }
.LBB2_52:
0xfa: {  	p0 =	sne.s32 s18, $0x18E40  }
.Ltmp25:
0xfb: {  	_ = 	snop;
	(pc) =	sbr.rel @p0 .LBB2_52-.Ltmp25, $3  }
0xfc: {  	_ =	sdelay $0x1  }
0xfd: {  	s19 =	sshra.s32 s18, $0x2;
	s18 =	sadd.s32 $0x800, s18;
	v0 =	vadd.f32 v1, v0  }
0xfe: {  	v1 =	vld [tilespmem:s19+$0x6400]  }
0xff: {  	_ =	sdelay $0x3  }
0x100: {  	v0 =	vadd.f32 v1, v0;
	_ =	sdelay $0x1  }
0x101: {  	s19 =	simm.s32 $0x1A0;
	[tilespmem:$0x12D90] =	vst v0  }
0x102: {  	s18 =	simm.s32 $0xE80;
	v0 =	vimm.f32 $0.0e+00;
	v1 =	vld [tilespmem:s19+$0x6400]  }
.LBB2_54:
0x103: {  	p0 =	sne.s32 s18, $0x18E80  }
.Ltmp26:
0x104: {  	_ = 	snop;
	(pc) =	sbr.rel @p0 .LBB2_54-.Ltmp26, $3  }
0x105: {  	_ =	sdelay $0x1  }
0x106: {  	s19 =	sshra.s32 s18, $0x2;
	s18 =	sadd.s32 $0x800, s18;
	v0 =	vadd.f32 v1, v0  }
0x107: {  	v1 =	vld [tilespmem:s19+$0x6400]  }
0x108: {  	_ =	sdelay $0x3  }
0x109: {  	v0 =	vadd.f32 v1, v0;
	_ =	sdelay $0x1  }
0x10a: {  	s19 =	simm.s32 $0x1B0;
	[tilespmem:$0x12DA0] =	vst v0  }
0x10b: {  	s18 =	simm.s32 $0xEC0;
	v0 =	vimm.f32 $0.0e+00;
	v1 =	vld [tilespmem:s19+$0x6400]  }
.LBB2_56:
0x10c: {  	p0 =	sne.s32 s18, $0x18EC0  }
.Ltmp27:
0x10d: {  	_ = 	snop;
	(pc) =	sbr.rel @p0 .LBB2_56-.Ltmp27, $3  }
0x10e: {  	_ =	sdelay $0x1  }
0x10f: {  	s19 =	sshra.s32 s18, $0x2;
	s18 =	sadd.s32 $0x800, s18;
	v0 =	vadd.f32 v1, v0  }
0x110: {  	v1 =	vld [tilespmem:s19+$0x6400]  }
0x111: {  	_ =	sdelay $0x3  }
0x112: {  	v0 =	vadd.f32 v1, v0;
	_ =	sdelay $0x1  }
0x113: {  	s19 =	simm.s32 $0x1C0;
	[tilespmem:$0x12DB0] =	vst v0  }
0x114: {  	s18 =	simm.s32 $0xF00;
	v0 =	vimm.f32 $0.0e+00;
	v1 =	vld [tilespmem:s19+$0x6400]  }
.LBB2_58:
0x115: {  	p0 =	sne.s32 s18, $0x18F00  }
.Ltmp28:
0x116: {  	_ = 	snop;
	(pc) =	sbr.rel @p0 .LBB2_58-.Ltmp28, $3  }
0x117: {  	_ =	sdelay $0x1  }
0x118: {  	s19 =	sshra.s32 s18, $0x2;
	s18 =	sadd.s32 $0x800, s18;
	v0 =	vadd.f32 v1, v0  }
0x119: {  	v1 =	vld [tilespmem:s19+$0x6400]  }
0x11a: {  	_ =	sdelay $0x3  }
0x11b: {  	v0 =	vadd.f32 v1, v0;
	_ =	sdelay $0x1  }
0x11c: {  	s19 =	simm.s32 $0x1D0;
	[tilespmem:$0x12DC0] =	vst v0  }
0x11d: {  	s18 =	simm.s32 $0xF40;
	v0 =	vimm.f32 $0.0e+00;
	v1 =	vld [tilespmem:s19+$0x6400]  }
.LBB2_60:
0x11e: {  	p0 =	sne.s32 s18, $0x18F40  }
.Ltmp29:
0x11f: {  	_ = 	snop;
	(pc) =	sbr.rel @p0 .LBB2_60-.Ltmp29, $3  }
0x120: {  	_ =	sdelay $0x1  }
0x121: {  	s19 =	sshra.s32 s18, $0x2;
	s18 =	sadd.s32 $0x800, s18;
	v0 =	vadd.f32 v1, v0  }
0x122: {  	v1 =	vld [tilespmem:s19+$0x6400]  }
0x123: {  	_ =	sdelay $0x3  }
0x124: {  	v0 =	vadd.f32 v1, v0;
	_ =	sdelay $0x1  }
0x125: {  	s19 =	simm.s32 $0x1E0;
	[tilespmem:$0x12DD0] =	vst v0  }
0x126: {  	s18 =	simm.s32 $0xF80;
	v0 =	vimm.f32 $0.0e+00;
	v1 =	vld [tilespmem:s19+$0x6400]  }
.LBB2_62:
0x127: {  	p0 =	sne.s32 s18, $0x18F80  }
.Ltmp30:
0x128: {  	_ = 	snop;
	(pc) =	sbr.rel @p0 .LBB2_62-.Ltmp30, $3  }
0x129: {  	_ =	sdelay $0x1  }
0x12a: {  	s19 =	sshra.s32 s18, $0x2;
	s18 =	sadd.s32 $0x800, s18;
	v0 =	vadd.f32 v1, v0  }
0x12b: {  	v1 =	vld [tilespmem:s19+$0x6400]  }
0x12c: {  	_ =	sdelay $0x3  }
0x12d: {  	v0 =	vadd.f32 v1, v0;
	_ =	sdelay $0x1  }
0x12e: {  	s19 =	simm.s32 $0x1F0;
	[tilespmem:$0x12DE0] =	vst v0  }
0x12f: {  	s18 =	simm.s32 $0xFC0;
	v0 =	vimm.f32 $0.0e+00;
	v1 =	vld [tilespmem:s19+$0x6400]  }
.LBB2_64:
0x130: {  	p0 =	sne.s32 s18, $0x18FC0  }
.Ltmp31:
0x131: {  	_ = 	snop;
	(pc) =	sbr.rel @p0 .LBB2_64-.Ltmp31, $3  }
0x132: {  	_ =	sdelay $0x1  }
0x133: {  	s19 =	sshra.s32 s18, $0x2;
	s18 =	sadd.s32 $0x800, s18;
	v0 =	vadd.f32 v1, v0  }
0x134: {  	v1 =	vld [tilespmem:s19+$0x6400]  }
0x135: {  	_ =	sdelay $0x3  }
0x136: {  	v0 =	vadd.f32 v1, v0;
	_ =	sdelay $0x1  }
0x137: {  	s18 =	simm.s32 $0x0;
	[tilespmem:$0x12DF0] =	vst v0  }
0x138: {  	[hbm4b:s6+s18] =	stream.linear.scatter [tilespmem:s15], [sflag:$0x3], $0x200, $0x38;
	[tilespmem:$0x12E00] =	vst v63  }
0x139: {  	_ =	swait.ge [sflag:s11], $0x200  }
0x13a: {  	[sflag:s11] =	ssyncset.done $0x0  }
0x13b: {  	[sflag:s11] =	ssyncadd.s32 $0xFFFFFE00  }
0x13c: {  	_ =	swait.ge [sflag:s16], $0x6400  }
0x13d: {  	[sflag:s16] =	ssyncset.done $0x0  }
0x13e: {  	s19 =	simm.s32 $0x0;
	[sflag:s16] =	ssyncadd.s32 $0xFFFF9C00  }
0x13f: {  	v0 =	vimm.f32 $0.0e+00;
	s18 =	simm.s32 $0x800;
	v1 =	vld [tilespmem:s19+$0xC800]  }
.LBB2_66:
0x140: {  	p0 =	sne.s32 s18, $0x18800  }
.Ltmp32:
0x141: {  	_ = 	snop;
	(pc) =	sbr.rel @p0 .LBB2_66-.Ltmp32, $3  }
0x142: {  	_ =	sdelay $0x1  }
0x143: {  	s19 =	sshra.s32 s18, $0x2;
	s18 =	sadd.s32 $0x800, s18;
	v0 =	vadd.f32 v1, v0  }
0x144: {  	v1 =	vld [tilespmem:s19+$0xC800]  }
0x145: {  	_ =	sdelay $0x3  }
0x146: {  	v0 =	vadd.f32 v1, v0;
	_ =	sdelay $0x1  }
0x147: {  	s19 =	simm.s32 $0x10;
	[tilespmem:$0x12C00] =	vst v0  }
0x148: {  	s18 =	simm.s32 $0x840;
	v0 =	vimm.f32 $0.0e+00;
	v1 =	vld [tilespmem:s19+$0xC800]  }
.LBB2_68:
0x149: {  	p0 =	sne.s32 s18, $0x18840  }
.Ltmp33:
0x14a: {  	_ = 	snop;
	(pc) =	sbr.rel @p0 .LBB2_68-.Ltmp33, $3  }
0x14b: {  	_ =	sdelay $0x1  }
0x14c: {  	s19 =	sshra.s32 s18, $0x2;
	s18 =	sadd.s32 $0x800, s18;
	v0 =	vadd.f32 v1, v0  }
0x14d: {  	v1 =	vld [tilespmem:s19+$0xC800]  }
0x14e: {  	_ =	sdelay $0x3  }
0x14f: {  	v0 =	vadd.f32 v1, v0;
	_ =	sdelay $0x1  }
0x150: {  	s19 =	simm.s32 $0x20;
	[tilespmem:$0x12C10] =	vst v0  }
0x151: {  	s18 =	simm.s32 $0x880;
	v0 =	vimm.f32 $0.0e+00;
	v1 =	vld [tilespmem:s19+$0xC800]  }
.LBB2_70:
0x152: {  	p0 =	sne.s32 s18, $0x18880  }
.Ltmp34:
0x153: {  	_ = 	snop;
	(pc) =	sbr.rel @p0 .LBB2_70-.Ltmp34, $3  }
0x154: {  	_ =	sdelay $0x1  }
0x155: {  	s19 =	sshra.s32 s18, $0x2;
	s18 =	sadd.s32 $0x800, s18;
	v0 =	vadd.f32 v1, v0  }
0x156: {  	v1 =	vld [tilespmem:s19+$0xC800]  }
0x157: {  	_ =	sdelay $0x3  }
0x158: {  	v0 =	vadd.f32 v1, v0;
	_ =	sdelay $0x1  }
0x159: {  	s19 =	simm.s32 $0x30;
	[tilespmem:$0x12C20] =	vst v0  }
0x15a: {  	s18 =	simm.s32 $0x8C0;
	v0 =	vimm.f32 $0.0e+00;
	v1 =	vld [tilespmem:s19+$0xC800]  }
.LBB2_72:
0x15b: {  	p0 =	sne.s32 s18, $0x188C0  }
.Ltmp35:
0x15c: {  	_ = 	snop;
	(pc) =	sbr.rel @p0 .LBB2_72-.Ltmp35, $3  }
0x15d: {  	_ =	sdelay $0x1  }
0x15e: {  	s19 =	sshra.s32 s18, $0x2;
	s18 =	sadd.s32 $0x800, s18;
	v0 =	vadd.f32 v1, v0  }
0x15f: {  	v1 =	vld [tilespmem:s19+$0xC800]  }
0x160: {  	_ =	sdelay $0x3  }
0x161: {  	v0 =	vadd.f32 v1, v0;
	_ =	sdelay $0x1  }
0x162: {  	s19 =	simm.s32 $0x40;
	[tilespmem:$0x12C30] =	vst v0  }
0x163: {  	s18 =	simm.s32 $0x900;
	v0 =	vimm.f32 $0.0e+00;
	v1 =	vld [tilespmem:s19+$0xC800]  }
.LBB2_74:
0x164: {  	p0 =	sne.s32 s18, $0x18900  }
.Ltmp36:
0x165: {  	_ = 	snop;
	(pc) =	sbr.rel @p0 .LBB2_74-.Ltmp36, $3  }
0x166: {  	_ =	sdelay $0x1  }
0x167: {  	s19 =	sshra.s32 s18, $0x2;
	s18 =	sadd.s32 $0x800, s18;
	v0 =	vadd.f32 v1, v0  }
0x168: {  	v1 =	vld [tilespmem:s19+$0xC800]  }
0x169: {  	_ =	sdelay $0x3  }
0x16a: {  	v0 =	vadd.f32 v1, v0;
	_ =	sdelay $0x1  }
0x16b: {  	s19 =	simm.s32 $0x50;
	[tilespmem:$0x12C40] =	vst v0  }
0x16c: {  	s18 =	simm.s32 $0x940;
	v0 =	vimm.f32 $0.0e+00;
	v1 =	vld [tilespmem:s19+$0xC800]  }
.LBB2_76:
0x16d: {  	p0 =	sne.s32 s18, $0x18940  }
.Ltmp37:
0x16e: {  	_ = 	snop;
	(pc) =	sbr.rel @p0 .LBB2_76-.Ltmp37, $3  }
0x16f: {  	_ =	sdelay $0x1  }
0x170: {  	s19 =	sshra.s32 s18, $0x2;
	s18 =	sadd.s32 $0x800, s18;
	v0 =	vadd.f32 v1, v0  }
0x171: {  	v1 =	vld [tilespmem:s19+$0xC800]  }
0x172: {  	_ =	sdelay $0x3  }
0x173: {  	v0 =	vadd.f32 v1, v0;
	_ =	sdelay $0x1  }
0x174: {  	s19 =	simm.s32 $0x60;
	[tilespmem:$0x12C50] =	vst v0  }
0x175: {  	s18 =	simm.s32 $0x980;
	v0 =	vimm.f32 $0.0e+00;
	v1 =	vld [tilespmem:s19+$0xC800]  }
.LBB2_78:
0x176: {  	p0 =	sne.s32 s18, $0x18980  }
.Ltmp38:
0x177: {  	_ = 	snop;
	(pc) =	sbr.rel @p0 .LBB2_78-.Ltmp38, $3  }
0x178: {  	_ =	sdelay $0x1  }
0x179: {  	s19 =	sshra.s32 s18, $0x2;
	s18 =	sadd.s32 $0x800, s18;
	v0 =	vadd.f32 v1, v0  }
0x17a: {  	v1 =	vld [tilespmem:s19+$0xC800]  }
0x17b: {  	_ =	sdelay $0x3  }
0x17c: {  	v0 =	vadd.f32 v1, v0;
	_ =	sdelay $0x1  }
0x17d: {  	s19 =	simm.s32 $0x70;
	[tilespmem:$0x12C60] =	vst v0  }
0x17e: {  	s18 =	simm.s32 $0x9C0;
	v0 =	vimm.f32 $0.0e+00;
	v1 =	vld [tilespmem:s19+$0xC800]  }
.LBB2_80:
0x17f: {  	p0 =	sne.s32 s18, $0x189C0  }
.Ltmp39:
0x180: {  	_ = 	snop;
	(pc) =	sbr.rel @p0 .LBB2_80-.Ltmp39, $3  }
0x181: {  	_ =	sdelay $0x1  }
0x182: {  	s19 =	sshra.s32 s18, $0x2;
	s18 =	sadd.s32 $0x800, s18;
	v0 =	vadd.f32 v1, v0  }
0x183: {  	v1 =	vld [tilespmem:s19+$0xC800]  }
0x184: {  	_ =	sdelay $0x3  }
0x185: {  	v0 =	vadd.f32 v1, v0;
	_ =	sdelay $0x1  }
0x186: {  	s19 =	simm.s32 $0x80;
	[tilespmem:$0x12C70] =	vst v0  }
0x187: {  	s18 =	simm.s32 $0xA00;
	v0 =	vimm.f32 $0.0e+00;
	v1 =	vld [tilespmem:s19+$0xC800]  }
.LBB2_82:
0x188: {  	p0 =	sne.s32 s18, $0x18A00  }
.Ltmp40:
0x189: {  	_ = 	snop;
	(pc) =	sbr.rel @p0 .LBB2_82-.Ltmp40, $3  }
0x18a: {  	_ =	sdelay $0x1  }
0x18b: {  	s19 =	sshra.s32 s18, $0x2;
	s18 =	sadd.s32 $0x800, s18;
	v0 =	vadd.f32 v1, v0  }
0x18c: {  	v1 =	vld [tilespmem:s19+$0xC800]  }
0x18d: {  	_ =	sdelay $0x3  }
0x18e: {  	v0 =	vadd.f32 v1, v0;
	_ =	sdelay $0x1  }
0x18f: {  	s19 =	simm.s32 $0x90;
	[tilespmem:$0x12C80] =	vst v0  }
0x190: {  	s18 =	simm.s32 $0xA40;
	v0 =	vimm.f32 $0.0e+00;
	v1 =	vld [tilespmem:s19+$0xC800]  }
.LBB2_84:
0x191: {  	p0 =	sne.s32 s18, $0x18A40  }
.Ltmp41:
0x192: {  	_ = 	snop;
	(pc) =	sbr.rel @p0 .LBB2_84-.Ltmp41, $3  }
0x193: {  	_ =	sdelay $0x1  }
0x194: {  	s19 =	sshra.s32 s18, $0x2;
	s18 =	sadd.s32 $0x800, s18;
	v0 =	vadd.f32 v1, v0  }
0x195: {  	v1 =	vld [tilespmem:s19+$0xC800]  }
0x196: {  	_ =	sdelay $0x3  }
0x197: {  	v0 =	vadd.f32 v1, v0;
	_ =	sdelay $0x1  }
0x198: {  	s19 =	simm.s32 $0xA0;
	[tilespmem:$0x12C90] =	vst v0  }
0x199: {  	s18 =	simm.s32 $0xA80;
	v0 =	vimm.f32 $0.0e+00;
	v1 =	vld [tilespmem:s19+$0xC800]  }
.LBB2_86:
0x19a: {  	p0 =	sne.s32 s18, $0x18A80  }
.Ltmp42:
0x19b: {  	_ = 	snop;
	(pc) =	sbr.rel @p0 .LBB2_86-.Ltmp42, $3  }
0x19c: {  	_ =	sdelay $0x1  }
0x19d: {  	s19 =	sshra.s32 s18, $0x2;
	s18 =	sadd.s32 $0x800, s18;
	v0 =	vadd.f32 v1, v0  }
0x19e: {  	v1 =	vld [tilespmem:s19+$0xC800]  }
0x19f: {  	_ =	sdelay $0x3  }
0x1a0: {  	v0 =	vadd.f32 v1, v0;
	_ =	sdelay $0x1  }
0x1a1: {  	s19 =	simm.s32 $0xB0;
	[tilespmem:$0x12CA0] =	vst v0  }
0x1a2: {  	s18 =	simm.s32 $0xAC0;
	v0 =	vimm.f32 $0.0e+00;
	v1 =	vld [tilespmem:s19+$0xC800]  }
.LBB2_88:
0x1a3: {  	p0 =	sne.s32 s18, $0x18AC0  }
.Ltmp43:
0x1a4: {  	_ = 	snop;
	(pc) =	sbr.rel @p0 .LBB2_88-.Ltmp43, $3  }
0x1a5: {  	_ =	sdelay $0x1  }
0x1a6: {  	s19 =	sshra.s32 s18, $0x2;
	s18 =	sadd.s32 $0x800, s18;
	v0 =	vadd.f32 v1, v0  }
0x1a7: {  	v1 =	vld [tilespmem:s19+$0xC800]  }
0x1a8: {  	_ =	sdelay $0x3  }
0x1a9: {  	v0 =	vadd.f32 v1, v0;
	_ =	sdelay $0x1  }
0x1aa: {  	s19 =	simm.s32 $0xC0;
	[tilespmem:$0x12CB0] =	vst v0  }
0x1ab: {  	s18 =	simm.s32 $0xB00;
	v0 =	vimm.f32 $0.0e+00;
	v1 =	vld [tilespmem:s19+$0xC800]  }
.LBB2_90:
0x1ac: {  	p0 =	sne.s32 s18, $0x18B00  }
.Ltmp44:
0x1ad: {  	_ = 	snop;
	(pc) =	sbr.rel @p0 .LBB2_90-.Ltmp44, $3  }
0x1ae: {  	_ =	sdelay $0x1  }
0x1af: {  	s19 =	sshra.s32 s18, $0x2;
	s18 =	sadd.s32 $0x800, s18;
	v0 =	vadd.f32 v1, v0  }
0x1b0: {  	v1 =	vld [tilespmem:s19+$0xC800]  }
0x1b1: {  	_ =	sdelay $0x3  }
0x1b2: {  	v0 =	vadd.f32 v1, v0;
	_ =	sdelay $0x1  }
0x1b3: {  	s19 =	simm.s32 $0xD0;
	[tilespmem:$0x12CC0] =	vst v0  }
0x1b4: {  	s18 =	simm.s32 $0xB40;
	v0 =	vimm.f32 $0.0e+00;
	v1 =	vld [tilespmem:s19+$0xC800]  }
.LBB2_92:
0x1b5: {  	p0 =	sne.s32 s18, $0x18B40  }
.Ltmp45:
0x1b6: {  	_ = 	snop;
	(pc) =	sbr.rel @p0 .LBB2_92-.Ltmp45, $3  }
0x1b7: {  	_ =	sdelay $0x1  }
0x1b8: {  	s19 =	sshra.s32 s18, $0x2;
	s18 =	sadd.s32 $0x800, s18;
	v0 =	vadd.f32 v1, v0  }
0x1b9: {  	v1 =	vld [tilespmem:s19+$0xC800]  }
0x1ba: {  	_ =	sdelay $0x3  }
0x1bb: {  	v0 =	vadd.f32 v1, v0;
	_ =	sdelay $0x1  }
0x1bc: {  	s19 =	simm.s32 $0xE0;
	[tilespmem:$0x12CD0] =	vst v0  }
0x1bd: {  	s18 =	simm.s32 $0xB80;
	v0 =	vimm.f32 $0.0e+00;
	v1 =	vld [tilespmem:s19+$0xC800]  }
.LBB2_94:
0x1be: {  	p0 =	sne.s32 s18, $0x18B80  }
.Ltmp46:
0x1bf: {  	_ = 	snop;
	(pc) =	sbr.rel @p0 .LBB2_94-.Ltmp46, $3  }
0x1c0: {  	_ =	sdelay $0x1  }
0x1c1: {  	s19 =	sshra.s32 s18, $0x2;
	s18 =	sadd.s32 $0x800, s18;
	v0 =	vadd.f32 v1, v0  }
0x1c2: {  	v1 =	vld [tilespmem:s19+$0xC800]  }
0x1c3: {  	_ =	sdelay $0x3  }
0x1c4: {  	v0 =	vadd.f32 v1, v0;
	_ =	sdelay $0x1  }
0x1c5: {  	s19 =	simm.s32 $0xF0;
	[tilespmem:$0x12CE0] =	vst v0  }
0x1c6: {  	s18 =	simm.s32 $0xBC0;
	v0 =	vimm.f32 $0.0e+00;
	v1 =	vld [tilespmem:s19+$0xC800]  }
.LBB2_96:
0x1c7: {  	p0 =	sne.s32 s18, $0x18BC0  }
.Ltmp47:
0x1c8: {  	_ = 	snop;
	(pc) =	sbr.rel @p0 .LBB2_96-.Ltmp47, $3  }
0x1c9: {  	_ =	sdelay $0x1  }
0x1ca: {  	s19 =	sshra.s32 s18, $0x2;
	s18 =	sadd.s32 $0x800, s18;
	v0 =	vadd.f32 v1, v0  }
0x1cb: {  	v1 =	vld [tilespmem:s19+$0xC800]  }
0x1cc: {  	_ =	sdelay $0x3  }
0x1cd: {  	v0 =	vadd.f32 v1, v0;
	_ =	sdelay $0x1  }
0x1ce: {  	s19 =	simm.s32 $0x100;
	[tilespmem:$0x12CF0] =	vst v0  }
0x1cf: {  	s18 =	simm.s32 $0xC00;
	v0 =	vimm.f32 $0.0e+00;
	v1 =	vld [tilespmem:s19+$0xC800]  }
.LBB2_98:
0x1d0: {  	p0 =	sne.s32 s18, $0x18C00  }
.Ltmp48:
0x1d1: {  	_ = 	snop;
	(pc) =	sbr.rel @p0 .LBB2_98-.Ltmp48, $3  }
0x1d2: {  	_ =	sdelay $0x1  }
0x1d3: {  	s19 =	sshra.s32 s18, $0x2;
	s18 =	sadd.s32 $0x800, s18;
	v0 =	vadd.f32 v1, v0  }
0x1d4: {  	v1 =	vld [tilespmem:s19+$0xC800]  }
0x1d5: {  	_ =	sdelay $0x3  }
0x1d6: {  	v0 =	vadd.f32 v1, v0;
	_ =	sdelay $0x1  }
0x1d7: {  	s19 =	simm.s32 $0x110;
	[tilespmem:$0x12D00] =	vst v0  }
0x1d8: {  	s18 =	simm.s32 $0xC40;
	v0 =	vimm.f32 $0.0e+00;
	v1 =	vld [tilespmem:s19+$0xC800]  }
.LBB2_100:
0x1d9: {  	p0 =	sne.s32 s18, $0x18C40  }
.Ltmp49:
0x1da: {  	_ = 	snop;
	(pc) =	sbr.rel @p0 .LBB2_100-.Ltmp49, $3  }
0x1db: {  	_ =	sdelay $0x1  }
0x1dc: {  	s19 =	sshra.s32 s18, $0x2;
	s18 =	sadd.s32 $0x800, s18;
	v0 =	vadd.f32 v1, v0  }
0x1dd: {  	v1 =	vld [tilespmem:s19+$0xC800]  }
0x1de: {  	_ =	sdelay $0x3  }
0x1df: {  	v0 =	vadd.f32 v1, v0;
	_ =	sdelay $0x1  }
0x1e0: {  	s19 =	simm.s32 $0x120;
	[tilespmem:$0x12D10] =	vst v0  }
0x1e1: {  	s18 =	simm.s32 $0xC80;
	v0 =	vimm.f32 $0.0e+00;
	v1 =	vld [tilespmem:s19+$0xC800]  }
.LBB2_102:
0x1e2: {  	p0 =	sne.s32 s18, $0x18C80  }
.Ltmp50:
0x1e3: {  	_ = 	snop;
	(pc) =	sbr.rel @p0 .LBB2_102-.Ltmp50, $3  }
0x1e4: {  	_ =	sdelay $0x1  }
0x1e5: {  	s19 =	sshra.s32 s18, $0x2;
	s18 =	sadd.s32 $0x800, s18;
	v0 =	vadd.f32 v1, v0  }
0x1e6: {  	v1 =	vld [tilespmem:s19+$0xC800]  }
0x1e7: {  	_ =	sdelay $0x3  }
0x1e8: {  	v0 =	vadd.f32 v1, v0;
	_ =	sdelay $0x1  }
0x1e9: {  	s19 =	simm.s32 $0x130;
	[tilespmem:$0x12D20] =	vst v0  }
0x1ea: {  	s18 =	simm.s32 $0xCC0;
	v0 =	vimm.f32 $0.0e+00;
	v1 =	vld [tilespmem:s19+$0xC800]  }
.LBB2_104:
0x1eb: {  	p0 =	sne.s32 s18, $0x18CC0  }
.Ltmp51:
0x1ec: {  	_ = 	snop;
	(pc) =	sbr.rel @p0 .LBB2_104-.Ltmp51, $3  }
0x1ed: {  	_ =	sdelay $0x1  }
0x1ee: {  	s19 =	sshra.s32 s18, $0x2;
	s18 =	sadd.s32 $0x800, s18;
	v0 =	vadd.f32 v1, v0  }
0x1ef: {  	v1 =	vld [tilespmem:s19+$0xC800]  }
0x1f0: {  	_ =	sdelay $0x3  }
0x1f1: {  	v0 =	vadd.f32 v1, v0;
	_ =	sdelay $0x1  }
0x1f2: {  	s19 =	simm.s32 $0x140;
	[tilespmem:$0x12D30] =	vst v0  }
0x1f3: {  	s18 =	simm.s32 $0xD00;
	v0 =	vimm.f32 $0.0e+00;
	v1 =	vld [tilespmem:s19+$0xC800]  }
.LBB2_106:
0x1f4: {  	p0 =	sne.s32 s18, $0x18D00  }
.Ltmp52:
0x1f5: {  	_ = 	snop;
	(pc) =	sbr.rel @p0 .LBB2_106-.Ltmp52, $3  }
0x1f6: {  	_ =	sdelay $0x1  }
0x1f7: {  	s19 =	sshra.s32 s18, $0x2;
	s18 =	sadd.s32 $0x800, s18;
	v0 =	vadd.f32 v1, v0  }
0x1f8: {  	v1 =	vld [tilespmem:s19+$0xC800]  }
0x1f9: {  	_ =	sdelay $0x3  }
0x1fa: {  	v0 =	vadd.f32 v1, v0;
	_ =	sdelay $0x1  }
0x1fb: {  	s19 =	simm.s32 $0x150;
	[tilespmem:$0x12D40] =	vst v0  }
0x1fc: {  	s18 =	simm.s32 $0xD40;
	v0 =	vimm.f32 $0.0e+00;
	v1 =	vld [tilespmem:s19+$0xC800]  }
.LBB2_108:
0x1fd: {  	p0 =	sne.s32 s18, $0x18D40  }
.Ltmp53:
0x1fe: {  	_ = 	snop;
	(pc) =	sbr.rel @p0 .LBB2_108-.Ltmp53, $3  }
0x1ff: {  	_ =	sdelay $0x1  }
0x200: {  	s19 =	sshra.s32 s18, $0x2;
	s18 =	sadd.s32 $0x800, s18;
	v0 =	vadd.f32 v1, v0  }
0x201: {  	v1 =	vld [tilespmem:s19+$0xC800]  }
0x202: {  	_ =	sdelay $0x3  }
0x203: {  	v0 =	vadd.f32 v1, v0;
	_ =	sdelay $0x1  }
0x204: {  	s19 =	simm.s32 $0x160;
	[tilespmem:$0x12D50] =	vst v0  }
0x205: {  	s18 =	simm.s32 $0xD80;
	v0 =	vimm.f32 $0.0e+00;
	v1 =	vld [tilespmem:s19+$0xC800]  }
.LBB2_110:
0x206: {  	p0 =	sne.s32 s18, $0x18D80  }
.Ltmp54:
0x207: {  	_ = 	snop;
	(pc) =	sbr.rel @p0 .LBB2_110-.Ltmp54, $3  }
0x208: {  	_ =	sdelay $0x1  }
0x209: {  	s19 =	sshra.s32 s18, $0x2;
	s18 =	sadd.s32 $0x800, s18;
	v0 =	vadd.f32 v1, v0  }
0x20a: {  	v1 =	vld [tilespmem:s19+$0xC800]  }
0x20b: {  	_ =	sdelay $0x3  }
0x20c: {  	v0 =	vadd.f32 v1, v0;
	_ =	sdelay $0x1  }
0x20d: {  	s19 =	simm.s32 $0x170;
	[tilespmem:$0x12D60] =	vst v0  }
0x20e: {  	s18 =	simm.s32 $0xDC0;
	v0 =	vimm.f32 $0.0e+00;
	v1 =	vld [tilespmem:s19+$0xC800]  }
.LBB2_112:
0x20f: {  	p0 =	sne.s32 s18, $0x18DC0  }
.Ltmp55:
0x210: {  	_ = 	snop;
	(pc) =	sbr.rel @p0 .LBB2_112-.Ltmp55, $3  }
0x211: {  	_ =	sdelay $0x1  }
0x212: {  	s19 =	sshra.s32 s18, $0x2;
	s18 =	sadd.s32 $0x800, s18;
	v0 =	vadd.f32 v1, v0  }
0x213: {  	v1 =	vld [tilespmem:s19+$0xC800]  }
0x214: {  	_ =	sdelay $0x3  }
0x215: {  	v0 =	vadd.f32 v1, v0;
	_ =	sdelay $0x1  }
0x216: {  	s19 =	simm.s32 $0x180;
	[tilespmem:$0x12D70] =	vst v0  }
0x217: {  	s18 =	simm.s32 $0xE00;
	v0 =	vimm.f32 $0.0e+00;
	v1 =	vld [tilespmem:s19+$0xC800]  }
.LBB2_114:
0x218: {  	p0 =	sne.s32 s18, $0x18E00  }
.Ltmp56:
0x219: {  	_ = 	snop;
	(pc) =	sbr.rel @p0 .LBB2_114-.Ltmp56, $3  }
0x21a: {  	_ =	sdelay $0x1  }
0x21b: {  	s19 =	sshra.s32 s18, $0x2;
	s18 =	sadd.s32 $0x800, s18;
	v0 =	vadd.f32 v1, v0  }
0x21c: {  	v1 =	vld [tilespmem:s19+$0xC800]  }
0x21d: {  	_ =	sdelay $0x3  }
0x21e: {  	v0 =	vadd.f32 v1, v0;
	_ =	sdelay $0x1  }
0x21f: {  	s19 =	simm.s32 $0x190;
	[tilespmem:$0x12D80] =	vst v0  }
0x220: {  	s18 =	simm.s32 $0xE40;
	v0 =	vimm.f32 $0.0e+00;
	v1 =	vld [tilespmem:s19+$0xC800]  }
.LBB2_116:
0x221: {  	p0 =	sne.s32 s18, $0x18E40  }
.Ltmp57:
0x222: {  	_ = 	snop;
	(pc) =	sbr.rel @p0 .LBB2_116-.Ltmp57, $3  }
0x223: {  	_ =	sdelay $0x1  }
0x224: {  	s19 =	sshra.s32 s18, $0x2;
	s18 =	sadd.s32 $0x800, s18;
	v0 =	vadd.f32 v1, v0  }
0x225: {  	v1 =	vld [tilespmem:s19+$0xC800]  }
0x226: {  	_ =	sdelay $0x3  }
0x227: {  	v0 =	vadd.f32 v1, v0;
	_ =	sdelay $0x1  }
0x228: {  	s19 =	simm.s32 $0x1A0;
	[tilespmem:$0x12D90] =	vst v0  }
0x229: {  	s18 =	simm.s32 $0xE80;
	v0 =	vimm.f32 $0.0e+00;
	v1 =	vld [tilespmem:s19+$0xC800]  }
.LBB2_118:
0x22a: {  	p0 =	sne.s32 s18, $0x18E80  }
.Ltmp58:
0x22b: {  	_ = 	snop;
	(pc) =	sbr.rel @p0 .LBB2_118-.Ltmp58, $3  }
0x22c: {  	_ =	sdelay $0x1  }
0x22d: {  	s19 =	sshra.s32 s18, $0x2;
	s18 =	sadd.s32 $0x800, s18;
	v0 =	vadd.f32 v1, v0  }
0x22e: {  	v1 =	vld [tilespmem:s19+$0xC800]  }
0x22f: {  	_ =	sdelay $0x3  }
0x230: {  	v0 =	vadd.f32 v1, v0;
	_ =	sdelay $0x1  }
0x231: {  	s19 =	simm.s32 $0x1B0;
	[tilespmem:$0x12DA0] =	vst v0  }
0x232: {  	s18 =	simm.s32 $0xEC0;
	v0 =	vimm.f32 $0.0e+00;
	v1 =	vld [tilespmem:s19+$0xC800]  }
.LBB2_120:
0x233: {  	p0 =	sne.s32 s18, $0x18EC0  }
.Ltmp59:
0x234: {  	_ = 	snop;
	(pc) =	sbr.rel @p0 .LBB2_120-.Ltmp59, $3  }
0x235: {  	_ =	sdelay $0x1  }
0x236: {  	s19 =	sshra.s32 s18, $0x2;
	s18 =	sadd.s32 $0x800, s18;
	v0 =	vadd.f32 v1, v0  }
0x237: {  	v1 =	vld [tilespmem:s19+$0xC800]  }
0x238: {  	_ =	sdelay $0x3  }
0x239: {  	v0 =	vadd.f32 v1, v0;
	_ =	sdelay $0x1  }
0x23a: {  	s19 =	simm.s32 $0x1C0;
	[tilespmem:$0x12DB0] =	vst v0  }
0x23b: {  	s18 =	simm.s32 $0xF00;
	v0 =	vimm.f32 $0.0e+00;
	v1 =	vld [tilespmem:s19+$0xC800]  }
.LBB2_122:
0x23c: {  	p0 =	sne.s32 s18, $0x18F00  }
.Ltmp60:
0x23d: {  	_ = 	snop;
	(pc) =	sbr.rel @p0 .LBB2_122-.Ltmp60, $3  }
0x23e: {  	_ =	sdelay $0x1  }
0x23f: {  	s19 =	sshra.s32 s18, $0x2;
	s18 =	sadd.s32 $0x800, s18;
	v0 =	vadd.f32 v1, v0  }
0x240: {  	v1 =	vld [tilespmem:s19+$0xC800]  }
0x241: {  	_ =	sdelay $0x3  }
0x242: {  	v0 =	vadd.f32 v1, v0;
	_ =	sdelay $0x1  }
0x243: {  	s19 =	simm.s32 $0x1D0;
	[tilespmem:$0x12DC0] =	vst v0  }
0x244: {  	s18 =	simm.s32 $0xF40;
	v0 =	vimm.f32 $0.0e+00;
	v1 =	vld [tilespmem:s19+$0xC800]  }
.LBB2_124:
0x245: {  	p0 =	sne.s32 s18, $0x18F40  }
.Ltmp61:
0x246: {  	_ = 	snop;
	(pc) =	sbr.rel @p0 .LBB2_124-.Ltmp61, $3  }
0x247: {  	_ =	sdelay $0x1  }
0x248: {  	s19 =	sshra.s32 s18, $0x2;
	s18 =	sadd.s32 $0x800, s18;
	v0 =	vadd.f32 v1, v0  }
0x249: {  	v1 =	vld [tilespmem:s19+$0xC800]  }
0x24a: {  	_ =	sdelay $0x3  }
0x24b: {  	v0 =	vadd.f32 v1, v0;
	_ =	sdelay $0x1  }
0x24c: {  	s19 =	simm.s32 $0x1E0;
	[tilespmem:$0x12DD0] =	vst v0  }
0x24d: {  	s18 =	simm.s32 $0xF80;
	v0 =	vimm.f32 $0.0e+00;
	v1 =	vld [tilespmem:s19+$0xC800]  }
.LBB2_126:
0x24e: {  	p0 =	sne.s32 s18, $0x18F80  }
.Ltmp62:
0x24f: {  	_ = 	snop;
	(pc) =	sbr.rel @p0 .LBB2_126-.Ltmp62, $3  }
0x250: {  	_ =	sdelay $0x1  }
0x251: {  	s19 =	sshra.s32 s18, $0x2;
	s18 =	sadd.s32 $0x800, s18;
	v0 =	vadd.f32 v1, v0  }
0x252: {  	v1 =	vld [tilespmem:s19+$0xC800]  }
0x253: {  	_ =	sdelay $0x3  }
0x254: {  	v0 =	vadd.f32 v1, v0;
	_ =	sdelay $0x1  }
0x255: {  	s19 =	simm.s32 $0x1F0;
	[tilespmem:$0x12DE0] =	vst v0  }
0x256: {  	s18 =	simm.s32 $0xFC0;
	v0 =	vimm.f32 $0.0e+00;
	v1 =	vld [tilespmem:s19+$0xC800]  }
.LBB2_128:
0x257: {  	p0 =	sne.s32 s18, $0x18FC0  }
.Ltmp63:
0x258: {  	_ = 	snop;
	(pc) =	sbr.rel @p0 .LBB2_128-.Ltmp63, $3  }
0x259: {  	_ =	sdelay $0x1  }
0x25a: {  	s19 =	sshra.s32 s18, $0x2;
	s18 =	sadd.s32 $0x800, s18;
	v0 =	vadd.f32 v1, v0  }
0x25b: {  	v1 =	vld [tilespmem:s19+$0xC800]  }
0x25c: {  	_ =	sdelay $0x3  }
0x25d: {  	s17 =	sadd.s32 $0x1, s17;
	v0 =	vadd.f32 v1, v0  }
0x25e: {  	p0 =	sne.s32 s17, s8  }
.Ltmp64:
0x25f: {  	[tilespmem:$0x12DF0] =	vst v0;
	(pc) =	sbr.rel @p0 .LBB2_1-.Ltmp64, $4  }
0x260: {  	[hbm4b:s7+s2] =	stream.linear.scatter [tilespmem:s15], [sflag:$0x3], $0x200, $0x38;
	[tilespmem:$0x12E00] =	vst v63  }
0x261: {  	_ =	swait.ge [sflag:s11], $0x200  }
0x262: {  	[sflag:s11] =	ssyncset.done $0x0  }
0x263: {  	[sflag:s11] =	ssyncadd.s32 $0xFFFFFE00  }
0x264: {  	_ =	sfence.sel $0x180000  }
0x265: {  	[bflag:$0x0] =	sbarrier.arrive $0xFFFF  }
0x266: {  	p0 =	sne.s32 s0, $0x0;
	_ =	strace $0x90000047  }
0x267: {  	s0 =	sadd.s32 @!p0 $0x100000, s1;
	[bflag:$0x2] =	sbarrier.arrive $0xFFFF  }
0x268: {  	[sflag:s0] =	ssyncadd.tile.s32 @!p0 $0x1;
	_ =	shalt  }
.Lfunc_end2:
_tile_overlayer_lowered:
.L_overlay_start_2:
0x269: {  	(tag) =	ssettag $0x2  }
0x26a: {  	s0 =	rddreg [dreg:$0x0];
	s2 =	stileid.u32  }
0x26b: {  	s1 =	rddreg [dreg:$0x1];
	p0 =	sne.s32 s2, $0x0  }
0x26c: {  	s3 =	rddreg [dreg:$0x2];
	[bflag:$0x3] =	sbarrier.arrive $0xFFFF;
	s2 =	simm.s32 @!p0 $0x1C03  }
0x26d: {  	[timem:s3], [sflag:s2] =	dma.local @!p0 [hbm:s0], s1  }
0x26e: {  	s0 =	simm.s32 @!p0 $0x3  }
0x26f: {  	_ =	swait.ge @!p0 [sflag:s0], s1  }
0x270: {  	s1 =	ssub.s32 @!p0 $0x0, s1;
	[sflag:s0] =	ssyncset.done @!p0 $0x0  }
0x271: {  	[sflag:s0] =	ssyncadd.s32 @!p0 s1  }
0x272: {  	[bflag:$0x3] =	sbarrier.arrive $0xFFFF  }
0x273: {  	_ =	shalt  }

</sc_bundles>
